<compile_context>
chip_gen: v7x
topology: tpu7x:2x2x1
jax: 0.10.2.dev20260603
libtpu: 0.0.44.dev20260713+nightly
codegen_flags: <defaults>
</compile_context>

<pallas_src>
import jax
import jax.numpy as jnp
from jax import lax
from jax.experimental import pallas as pl
from jax.experimental.pallas import tpu as pltpu
from jax.experimental.pallas import tpu_sc as plsc

_T = 40
_NW = 32
_F = 128
_SPH = 9
_R = _T * _SPH


def _sc_kernel(x3, atomic_numbers, shifts, scales):
    N = x3.shape[0] // _SPH
    nt = N // _T
    npairs = (nt + 2 * _NW - 1) // (2 * _NW)
    mesh = plsc.VectorSubcoreMesh(core_axis_name="c", subcore_axis_name="s")

    def body(x_hbm, an_hbm, sh_hbm, sc_hbm, o_hbm, xbuf, anbuf, scbuf, shbuf,
             sc_sp, sh_sp,
             sem_x0, sem_x1, sem_a0, sem_a1, sem_g0, sem_g1, sem_o0, sem_o1):
        wid = lax.axis_index("s") * 2 + lax.axis_index("c")
        sems = ((sem_x0, sem_a0, sem_g0, sem_o0),
                (sem_x1, sem_a1, sem_g1, sem_o1))

        @pl.when(lax.axis_index("s") == 0)
        def _():
            pltpu.sync_copy(sc_hbm, sc_sp)
            pltpu.sync_copy(sh_hbm, sh_sp)

        plsc.subcore_barrier()

        def start_in(t, slot):
            sx, sa = sems[slot][0], sems[slot][1]
            pltpu.make_async_copy(
                x_hbm.at[pl.ds(t * _R, _R)], xbuf.at[slot], sx).start()
            pltpu.make_async_copy(
                an_hbm.at[pl.ds(t * _T, _T)], anbuf.at[slot], sa).start()

        def handle(j, slot):
            nslot = 1 - slot
            t = wid + _NW * j
            sx, sa, sg, so = sems[slot]
            so_prev = sems[nslot][3]
            tprev = t - _NW

            @pl.when(t < nt)
            def _():
                pltpu.make_async_copy(
                    an_hbm.at[pl.ds(t * _T, _T)], anbuf.at[slot], sa).wait()
                pltpu.make_async_copy(
                    sc_sp.at[anbuf.at[slot]], scbuf.at[slot], sg).start()
                pltpu.make_async_copy(
                    sh_sp.at[anbuf.at[slot]], shbuf.at[slot], sg).start()
                pltpu.make_async_copy(
                    x_hbm.at[pl.ds(t * _R, _R)], xbuf.at[slot], sx).wait()

            @pl.when((tprev >= 0) & (tprev < nt))
            def _():
                pltpu.make_async_copy(
                    xbuf.at[nslot], o_hbm.at[pl.ds(tprev * _R, _R)],
                    so_prev).wait()

            tnext = t + _NW

            @pl.when(tnext < nt)
            def _():
                start_in(tnext, nslot)

            @pl.when(t < nt)
            def _():
                pltpu.make_async_copy(
                    sc_sp.at[anbuf.at[slot]], scbuf.at[slot], sg).wait()
                pltpu.make_async_copy(
                    sh_sp.at[anbuf.at[slot]], shbuf.at[slot], sg).wait()

                def upd(i, carry):
                    for v in range(_F // 16):
                        d = pl.ds(v * 16, 16)
                        xv = xbuf[slot, _SPH * i, d]
                        sv = jnp.abs(scbuf[slot, i, d])
                        hv = shbuf[slot, i, d]
                        xbuf[slot, _SPH * i, d] = xv * sv + hv
                    return carry

                lax.fori_loop(0, _T, upd, 0)
                pltpu.make_async_copy(
                    xbuf.at[slot], o_hbm.at[pl.ds(t * _R, _R)], so).start()

        @pl.when(wid < nt)
        def _():
            start_in(wid, 0)

        def pair(jj, carry):
            handle(2 * jj, 0)
            handle(2 * jj + 1, 1)
            return carry

        lax.fori_loop(0, npairs, pair, 0)
        assert _NW * (2 * npairs - 1) >= nt

    return pl.kernel(
        body,
        mesh=mesh,
        out_type=jax.ShapeDtypeStruct(x3.shape, x3.dtype),
        scratch_types=[
            pltpu.VMEM((2, _R, _F), jnp.float32),
            pltpu.VMEM((2, _T), jnp.int32),
            pltpu.VMEM((2, _T, _F), jnp.float32),
            pltpu.VMEM((2, _T, _F), jnp.float32),
            pltpu.VMEM_SHARED((100, _F), jnp.float32),
            pltpu.VMEM_SHARED((100, _F), jnp.float32),
        ] + [pltpu.SemaphoreType.DMA] * 8,
    )(x3, atomic_numbers, shifts, scales)


def kernel(x, atomic_numbers, shifts, scales):
    N, one, S, F = x.shape
    x3 = x.reshape(N * S, F)
    out3 = _sc_kernel(x3, atomic_numbers, shifts, scales)
    return out3.reshape(N, one, S, F)

# --- scband reference (transcript-rebuilt; emitter-appended) ---
"""Pipeline reference for scband-on-diagonal-scale-shift-4037269259003 (READ-ONLY COPY).

The authoritative reference and input builder live on the scoring server;
editing this copy changes nothing except your own understanding.
"""

import jax, jax.numpy as jnp
import numpy as np

NUM_ATOMS = 100000
NUM_ELEMENTS = 100
NUM_FEATURES = 128
SPH = 9  # (in_max_degree+1)**2 with in_max_degree=2


def setup_inputs(seed: int = 0) -> dict:
    key = jax.random.key(seed)
    k1, k2, k3, k4 = jax.random.split(key, 4)
    x = jax.random.normal(k1, (NUM_ATOMS, 1, SPH, NUM_FEATURES), dtype=jnp.float32)
    atomic_numbers = jax.random.randint(k2, (NUM_ATOMS,), 0, NUM_ELEMENTS, dtype=jnp.int32)
    # learned per-element parameter tables (module attributes shifts/scales)
    shifts = jax.random.normal(k3, (NUM_ELEMENTS, NUM_FEATURES), dtype=jnp.float32) * 0.1
    scales = 1.0 + jax.random.normal(k4, (NUM_ELEMENTS, NUM_FEATURES), dtype=jnp.float32) * 0.1
    return {"x": x, "atomic_numbers": atomic_numbers, "shifts": shifts, "scales": scales}


def reference(x, atomic_numbers, shifts, scales):
    # gather per-atom scale/shift rows (embedding lookup), then update the
    # scalar (l=0, m=0) channel of the equivariant feature tensor in place.
    x = x.at[..., 0, 0, :].multiply(jnp.abs(scales[atomic_numbers]))
    x = x.at[..., 0, 0, :].add(shifts[atomic_numbers])
    return x

if __name__ == "__main__":
    import jax
    _d = setup_inputs()
    print(jax.jit(kernel)(*tuple(_d.values())))

</pallas_src>

<mosaic_0001>
#map = affine_map<(d0, d1) -> (0, 0)>
#map1 = affine_map<(d0, d1) -> (0)>
module attributes {stable_mosaic.version = 14 : i64} {
  func.func @body(%arg0: i32, %arg1: i32, %arg2: memref<900000x128xf32, #tpu.memory_space<hbm>>, %arg3: memref<100000xi32, #tpu.memory_space<hbm>>, %arg4: memref<100x128xf32, #tpu.memory_space<hbm>>, %arg5: memref<100x128xf32, #tpu.memory_space<hbm>>, %arg6: memref<900000x128xf32, #tpu.memory_space<hbm>>, %arg7: memref<2x360x128xf32, #tpu.memory_space<vmem>>, %arg8: memref<2x40xi32, #tpu.memory_space<vmem>>, %arg9: memref<2x40x128xf32, #tpu.memory_space<vmem>>, %arg10: memref<2x40x128xf32, #tpu.memory_space<vmem>>, %arg11: memref<100x128xf32, #tpu.memory_space<vmem_shared>>, %arg12: memref<100x128xf32, #tpu.memory_space<vmem_shared>>, %arg13: memref<!tpu.dma_semaphore, #tpu.memory_space<semaphore_mem>>, %arg14: memref<!tpu.dma_semaphore, #tpu.memory_space<semaphore_mem>>, %arg15: memref<!tpu.dma_semaphore, #tpu.memory_space<semaphore_mem>>, %arg16: memref<!tpu.dma_semaphore, #tpu.memory_space<semaphore_mem>>, %arg17: memref<!tpu.dma_semaphore, #tpu.memory_space<semaphore_mem>>, %arg18: memref<!tpu.dma_semaphore, #tpu.memory_space<semaphore_mem>>, %arg19: memref<!tpu.dma_semaphore, #tpu.memory_space<semaphore_mem>>, %arg20: memref<!tpu.dma_semaphore, #tpu.memory_space<semaphore_mem>>) attributes {dimension_semantics = [#tpu.dimension_semantics<core_parallel>, #tpu.dimension_semantics<subcore_parallel>], iteration_bounds = array<i64: 2, 16>, scalar_prefetch = 0 : i64, scratch_operands = 14 : i64, tpu.core_type = #tpu.core_type<sc_vector_subcore>, window_params = [{transform_indices = #map}, {transform_indices = #map1}, {transform_indices = #map}, {transform_indices = #map}, {transform_indices = #map}]} {
    %mul3A = arith.constant 2 : i32
    %mul3A_0 = arith.muli %arg1, %mul3A : i32
    %add3A = arith.addi %mul3A_0, %arg0 : i32
    %eq3A = arith.constant 0 : i32
    %eq3A_1 = arith.cmpi eq, %arg1, %eq3A : i32
    %convert_element_type3A = arith.extui %eq3A_1 : i1 to i32
    %cond3A = arith.constant 0 : i32
    %cond3A_2 = arith.cmpi ne, %convert_element_type3A, %cond3A : i32
    scf.if %cond3A_2 {
      "tpu.region"() ({
        %run_scoped3A = tpu.sem_alloc : memref<!tpu.dma_semaphore, #tpu.memory_space<semaphore_mem>>
        tpu.enqueue_dma source(%arg5 : memref<100x128xf32, #tpu.memory_space<hbm>>) target(%arg11 : memref<100x128xf32, #tpu.memory_space<vmem_shared>>) target_semaphore(%run_scoped3A : memref<!tpu.dma_semaphore, #tpu.memory_space<semaphore_mem>>)
        tpu.wait_dma2 semaphore(%run_scoped3A : memref<!tpu.dma_semaphore, #tpu.memory_space<semaphore_mem>>) src(%arg5 : memref<100x128xf32, #tpu.memory_space<hbm>>) dst(%arg11 : memref<100x128xf32, #tpu.memory_space<vmem_shared>>)
        tpu.yield
      }) : () -> ()
      "tpu.region"() ({
        %run_scoped3A = tpu.sem_alloc : memref<!tpu.dma_semaphore, #tpu.memory_space<semaphore_mem>>
        tpu.enqueue_dma source(%arg4 : memref<100x128xf32, #tpu.memory_space<hbm>>) target(%arg12 : memref<100x128xf32, #tpu.memory_space<vmem_shared>>) target_semaphore(%run_scoped3A : memref<!tpu.dma_semaphore, #tpu.memory_space<semaphore_mem>>)
        tpu.wait_dma2 semaphore(%run_scoped3A : memref<!tpu.dma_semaphore, #tpu.memory_space<semaphore_mem>>) src(%arg4 : memref<100x128xf32, #tpu.memory_space<hbm>>) dst(%arg12 : memref<100x128xf32, #tpu.memory_space<vmem_shared>>)
        tpu.yield
      }) : () -> ()
    } else {
    }
    %barrier3A = arith.constant 0 : index
    tpu.barrier barrier_id(%barrier3A)
    %lt3A = arith.constant 2500 : i32
    %lt3A_3 = arith.cmpi slt, %add3A, %lt3A : i32
    %convert_element_type3A_4 = arith.extui %lt3A_3 : i1 to i32
    %cond3A_5 = arith.constant 0 : i32
    %cond3A_6 = arith.cmpi ne, %convert_element_type3A_4, %cond3A_5 : i32
    scf.if %cond3A_6 {
      %mul3A_12 = arith.constant 360 : i32
      %mul3A_13 = arith.muli %add3A, %mul3A_12 : i32
      %dma_start3A = arith.constant 0 : i32
      %dma_start3A_14 = arith.constant 0 : i32
      %dma_start3A_15 = arith.constant 0 : i32
      %dma_start3A_16 = tpu.memref_slice %arg7[%dma_start3A, %dma_start3A_14, %dma_start3A_15] : memref<2x360x128xf32, #tpu.memory_space<vmem>> -> memref<1x360x128xf32, #tpu.memory_space<vmem>>
      %dma_start3A_17 = tpu.memref_squeeze %dma_start3A_16 : memref<1x360x128xf32, #tpu.memory_space<vmem>> -> memref<360x128xf32, #tpu.memory_space<vmem>>
      %dma_start3A_18 = arith.constant 0 : i32
      %dma_start3A_19 = tpu.memref_slice %arg2[%mul3A_13, %dma_start3A_18] : memref<900000x128xf32, #tpu.memory_space<hbm>> -> memref<360x128xf32, #tpu.memory_space<hbm>>
      %dma_start3A_20 = arith.constant 0 : i32
      %dma_start3A_21 = arith.constant 0 : i32
      %dma_start3A_22 = tpu.memref_slice %arg7[%dma_start3A, %dma_start3A_20, %dma_start3A_21] : memref<2x360x128xf32, #tpu.memory_space<vmem>> -> memref<1x360x128xf32, #tpu.memory_space<vmem>>
      %dma_start3A_23 = tpu.memref_squeeze %dma_start3A_22 : memref<1x360x128xf32, #tpu.memory_space<vmem>> -> memref<360x128xf32, #tpu.memory_space<vmem>>
      %dma_start3A_24 = arith.constant 0 : i32
      %dma_start3A_25 = tpu.memref_slice %arg2[%mul3A_13, %dma_start3A_24] : memref<900000x128xf32, #tpu.memory_space<hbm>> -> memref<360x128xf32, #tpu.memory_space<hbm>>
      tpu.enqueue_dma source(%dma_start3A_25 : memref<360x128xf32, #tpu.memory_space<hbm>>) target(%dma_start3A_23 : memref<360x128xf32, #tpu.memory_space<vmem>>) target_semaphore(%arg13 : memref<!tpu.dma_semaphore, #tpu.memory_space<semaphore_mem>>)
      %mul3A_26 = arith.constant 40 : i32
      %mul3A_27 = arith.muli %add3A, %mul3A_26 : i32
      %dma_start3A_28 = arith.constant 0 : i32
      %dma_start3A_29 = arith.constant 0 : i32
      %dma_start3A_30 = tpu.memref_slice %arg8[%dma_start3A_28, %dma_start3A_29] : memref<2x40xi32, #tpu.memory_space<vmem>> -> memref<1x40xi32, #tpu.memory_space<vmem>>
      %dma_start3A_31 = tpu.memref_squeeze %dma_start3A_30 : memref<1x40xi32, #tpu.memory_space<vmem>> -> memref<40xi32, #tpu.memory_space<vmem>>
      %dma_start3A_32 = tpu.memref_slice %arg3[%mul3A_27] : memref<100000xi32, #tpu.memory_space<hbm>> -> memref<40xi32, #tpu.memory_space<hbm>>
      %dma_start3A_33 = arith.constant 0 : i32
      %dma_start3A_34 = tpu.memref_slice %arg8[%dma_start3A_28, %dma_start3A_33] : memref<2x40xi32, #tpu.memory_space<vmem>> -> memref<1x40xi32, #tpu.memory_space<vmem>>
      %dma_start3A_35 = tpu.memref_squeeze %dma_start3A_34 : memref<1x40xi32, #tpu.memory_space<vmem>> -> memref<40xi32, #tpu.memory_space<vmem>>
      %dma_start3A_36 = tpu.memref_slice %arg3[%mul3A_27] : memref<100000xi32, #tpu.memory_space<hbm>> -> memref<40xi32, #tpu.memory_space<hbm>>
      tpu.enqueue_dma source(%dma_start3A_36 : memref<40xi32, #tpu.memory_space<hbm>>) target(%dma_start3A_35 : memref<40xi32, #tpu.memory_space<vmem>>) target_semaphore(%arg15 : memref<!tpu.dma_semaphore, #tpu.memory_space<semaphore_mem>>)
    } else {
    }
    %scan3A = arith.constant 0 : i32
    %scan3A_7 = arith.constant 0 : i32
    %scan3A_8 = arith.constant 40 : i32
    %scan3A_9 = arith.addi %scan3A_7, %scan3A_8 : i32
    %scan3A_10 = arith.constant 1 : i32
    scf.for %scan3A_12 = %scan3A_7 to %scan3A_9 step %scan3A_10  : i32 {
      %mul3A_13 = arith.constant 2 : i32
      %mul3A_14 = arith.muli %mul3A_13, %scan3A_12 : i32
      %mul3A_15 = arith.constant 32 : i32
      %mul3A_16 = arith.muli %mul3A_15, %mul3A_14 : i32
      %add3A_17 = arith.addi %add3A, %mul3A_16 : i32
      %sub3A = arith.constant 32 : i32
      %sub3A_18 = arith.subi %add3A_17, %sub3A : i32
      %lt3A_19 = arith.constant 2500 : i32
      %lt3A_20 = arith.cmpi slt, %add3A_17, %lt3A_19 : i32
      %convert_element_type3A_21 = arith.extui %lt3A_20 : i1 to i32
      %cond3A_22 = arith.constant 0 : i32
      %cond3A_23 = arith.cmpi ne, %convert_element_type3A_21, %cond3A_22 : i32
      scf.if %cond3A_23 {
        %mul3A_76 = arith.constant 40 : i32
        %mul3A_77 = arith.muli %add3A_17, %mul3A_76 : i32
        %dma_wait3A = arith.constant 0 : i32
        %dma_wait3A_78 = arith.constant 0 : i32
        %dma_wait3A_79 = tpu.memref_slice %arg8[%dma_wait3A, %dma_wait3A_78] : memref<2x40xi32, #tpu.memory_space<vmem>> -> memref<1x40xi32, #tpu.memory_space<vmem>>
        %dma_wait3A_80 = tpu.memref_squeeze %dma_wait3A_79 : memref<1x40xi32, #tpu.memory_space<vmem>> -> memref<40xi32, #tpu.memory_space<vmem>>
        %dma_wait3A_81 = tpu.memref_slice %arg3[%mul3A_77] : memref<100000xi32, #tpu.memory_space<hbm>> -> memref<40xi32, #tpu.memory_space<hbm>>
        %dma_wait3A_82 = arith.constant 0 : i32
        %dma_wait3A_83 = tpu.memref_slice %arg8[%dma_wait3A, %dma_wait3A_82] : memref<2x40xi32, #tpu.memory_space<vmem>> -> memref<1x40xi32, #tpu.memory_space<vmem>>
        %dma_wait3A_84 = tpu.memref_squeeze %dma_wait3A_83 : memref<1x40xi32, #tpu.memory_space<vmem>> -> memref<40xi32, #tpu.memory_space<vmem>>
        %dma_wait3A_85 = tpu.memref_slice %arg3[%mul3A_77] : memref<100000xi32, #tpu.memory_space<hbm>> -> memref<40xi32, #tpu.memory_space<hbm>>
        tpu.wait_dma2 semaphore(%arg15 : memref<!tpu.dma_semaphore, #tpu.memory_space<semaphore_mem>>) src(%dma_wait3A_85 : memref<40xi32, #tpu.memory_space<hbm>>) dst(%dma_wait3A_84 : memref<40xi32, #tpu.memory_space<vmem>>)
        %dma_start3A = arith.constant 0 : i32
        %dma_start3A_86 = arith.constant 0 : i32
        %dma_start3A_87 = arith.constant 0 : i32
        %dma_start3A_88 = arith.constant 0 : i32
        %dma_start3A_89 = tpu.memref_slice %arg9[%dma_start3A_86, %dma_start3A_87, %dma_start3A_88] : memref<2x40x128xf32, #tpu.memory_space<vmem>> -> memref<1x40x128xf32, #tpu.memory_space<vmem>>
        %dma_start3A_90 = tpu.memref_squeeze %dma_start3A_89 : memref<1x40x128xf32, #tpu.memory_space<vmem>> -> memref<40x128xf32, #tpu.memory_space<vmem>>
        %dma_start3A_91 = arith.constant 0 : i32
        %dma_start3A_92 = tpu.memref_slice %arg8[%dma_start3A, %dma_start3A_91] : memref<2x40xi32, #tpu.memory_space<vmem>> -> memref<1x40xi32, #tpu.memory_space<vmem>>
        %dma_start3A_93 = tpu.memref_squeeze %dma_start3A_92 : memref<1x40xi32, #tpu.memory_space<vmem>> -> memref<40xi32, #tpu.memory_space<vmem>>
        %dma_start3A_94 = arith.constant 0 : i32
        %dma_start3A_95 = arith.constant 0 : i32
        %dma_start3A_96 = tpu.memref_slice %arg11[%dma_start3A_94, %dma_start3A_95] : memref<100x128xf32, #tpu.memory_space<vmem_shared>> -> memref<100x128xf32, #tpu.memory_space<vmem_shared>>
        tpu.enqueue_indirect_dma source(%dma_start3A_96 : memref<100x128xf32, #tpu.memory_space<vmem_shared>>) target(%dma_start3A_90 : memref<40x128xf32, #tpu.memory_space<vmem>>) offsets(%dma_start3A_93 : memref<40xi32, #tpu.memory_space<vmem>>) semaphore(%arg17 : memref<!tpu.dma_semaphore, #tpu.memory_space<semaphore_mem>>)
        %dma_start3A_97 = arith.constant 0 : i32
        %dma_start3A_98 = arith.constant 0 : i32
        %dma_start3A_99 = arith.constant 0 : i32
        %dma_start3A_100 = arith.constant 0 : i32
        %dma_start3A_101 = tpu.memref_slice %arg10[%dma_start3A_98, %dma_start3A_99, %dma_start3A_100] : memref<2x40x128xf32, #tpu.memory_space<vmem>> -> memref<1x40x128xf32, #tpu.memory_space<vmem>>
        %dma_start3A_102 = tpu.memref_squeeze %dma_start3A_101 : memref<1x40x128xf32, #tpu.memory_space<vmem>> -> memref<40x128xf32, #tpu.memory_space<vmem>>
        %dma_start3A_103 = arith.constant 0 : i32
        %dma_start3A_104 = tpu.memref_slice %arg8[%dma_start3A_97, %dma_start3A_103] : memref<2x40xi32, #tpu.memory_space<vmem>> -> memref<1x40xi32, #tpu.memory_space<vmem>>
        %dma_start3A_105 = tpu.memref_squeeze %dma_start3A_104 : memref<1x40xi32, #tpu.memory_space<vmem>> -> memref<40xi32, #tpu.memory_space<vmem>>
        %dma_start3A_106 = arith.constant 0 : i32
        %dma_start3A_107 = arith.constant 0 : i32
        %dma_start3A_108 = tpu.memref_slice %arg12[%dma_start3A_106, %dma_start3A_107] : memref<100x128xf32, #tpu.memory_space<vmem_shared>> -> memref<100x128xf32, #tpu.memory_space<vmem_shared>>
        tpu.enqueue_indirect_dma source(%dma_start3A_108 : memref<100x128xf32, #tpu.memory_space<vmem_shared>>) target(%dma_start3A_102 : memref<40x128xf32, #tpu.memory_space<vmem>>) offsets(%dma_start3A_105 : memref<40xi32, #tpu.memory_space<vmem>>) semaphore(%arg17 : memref<!tpu.dma_semaphore, #tpu.memory_space<semaphore_mem>>)
        %mul3A_109 = arith.constant 360 : i32
        %mul3A_110 = arith.muli %add3A_17, %mul3A_109 : i32
        %dma_wait3A_111 = arith.constant 0 : i32
        %dma_wait3A_112 = arith.constant 0 : i32
        %dma_wait3A_113 = arith.constant 0 : i32
        %dma_wait3A_114 = tpu.memref_slice %arg7[%dma_wait3A_111, %dma_wait3A_112, %dma_wait3A_113] : memref<2x360x128xf32, #tpu.memory_space<vmem>> -> memref<1x360x128xf32, #tpu.memory_space<vmem>>
        %dma_wait3A_115 = tpu.memref_squeeze %dma_wait3A_114 : memref<1x360x128xf32, #tpu.memory_space<vmem>> -> memref<360x128xf32, #tpu.memory_space<vmem>>
        %dma_wait3A_116 = arith.constant 0 : i32
        %dma_wait3A_117 = tpu.memref_slice %arg2[%mul3A_110, %dma_wait3A_116] : memref<900000x128xf32, #tpu.memory_space<hbm>> -> memref<360x128xf32, #tpu.memory_space<hbm>>
        %dma_wait3A_118 = arith.constant 0 : i32
        %dma_wait3A_119 = arith.constant 0 : i32
        %dma_wait3A_120 = tpu.memref_slice %arg7[%dma_wait3A_111, %dma_wait3A_118, %dma_wait3A_119] : memref<2x360x128xf32, #tpu.memory_space<vmem>> -> memref<1x360x128xf32, #tpu.memory_space<vmem>>
        %dma_wait3A_121 = tpu.memref_squeeze %dma_wait3A_120 : memref<1x360x128xf32, #tpu.memory_space<vmem>> -> memref<360x128xf32, #tpu.memory_space<vmem>>
        %dma_wait3A_122 = arith.constant 0 : i32
        %dma_wait3A_123 = tpu.memref_slice %arg2[%mul3A_110, %dma_wait3A_122] : memref<900000x128xf32, #tpu.memory_space<hbm>> -> memref<360x128xf32, #tpu.memory_space<hbm>>
        tpu.wait_dma2 semaphore(%arg13 : memref<!tpu.dma_semaphore, #tpu.memory_space<semaphore_mem>>) src(%dma_wait3A_123 : memref<360x128xf32, #tpu.memory_space<hbm>>) dst(%dma_wait3A_121 : memref<360x128xf32, #tpu.memory_space<vmem>>)
      } else {
      }
      %ge3A = arith.constant 0 : i32
      %ge3A_24 = arith.cmpi sge, %sub3A_18, %ge3A : i32
      %lt3A_25 = arith.constant 2500 : i32
      %lt3A_26 = arith.cmpi slt, %sub3A_18, %lt3A_25 : i32
      %and3A = arith.andi %ge3A_24, %lt3A_26 : i1
      %convert_element_type3A_27 = arith.extui %and3A : i1 to i32
      %cond3A_28 = arith.constant 0 : i32
      %cond3A_29 = arith.cmpi ne, %convert_element_type3A_27, %cond3A_28 : i32
      scf.if %cond3A_29 {
        %mul3A_76 = arith.constant 360 : i32
        %mul3A_77 = arith.muli %sub3A_18, %mul3A_76 : i32
        %dma_wait3A = arith.constant 1 : i32
        %dma_wait3A_78 = arith.constant 0 : i32
        %dma_wait3A_79 = arith.constant 0 : i32
        %dma_wait3A_80 = tpu.memref_slice %arg7[%dma_wait3A, %dma_wait3A_78, %dma_wait3A_79] : memref<2x360x128xf32, #tpu.memory_space<vmem>> -> memref<1x360x128xf32, #tpu.memory_space<vmem>>
        %dma_wait3A_81 = tpu.memref_squeeze %dma_wait3A_80 : memref<1x360x128xf32, #tpu.memory_space<vmem>> -> memref<360x128xf32, #tpu.memory_space<vmem>>
        %dma_wait3A_82 = arith.constant 0 : i32
        %dma_wait3A_83 = tpu.memref_slice %arg6[%mul3A_77, %dma_wait3A_82] : memref<900000x128xf32, #tpu.memory_space<hbm>> -> memref<360x128xf32, #tpu.memory_space<hbm>>
        %dma_wait3A_84 = arith.constant 0 : i32
        %dma_wait3A_85 = tpu.memref_slice %arg6[%mul3A_77, %dma_wait3A_84] : memref<900000x128xf32, #tpu.memory_space<hbm>> -> memref<360x128xf32, #tpu.memory_space<hbm>>
        %dma_wait3A_86 = arith.constant 0 : i32
        %dma_wait3A_87 = arith.constant 0 : i32
        %dma_wait3A_88 = tpu.memref_slice %arg7[%dma_wait3A, %dma_wait3A_86, %dma_wait3A_87] : memref<2x360x128xf32, #tpu.memory_space<vmem>> -> memref<1x360x128xf32, #tpu.memory_space<vmem>>
        %dma_wait3A_89 = tpu.memref_squeeze %dma_wait3A_88 : memref<1x360x128xf32, #tpu.memory_space<vmem>> -> memref<360x128xf32, #tpu.memory_space<vmem>>
        tpu.wait_dma2 semaphore(%arg20 : memref<!tpu.dma_semaphore, #tpu.memory_space<semaphore_mem>>) src(%dma_wait3A_89 : memref<360x128xf32, #tpu.memory_space<vmem>>) dst(%dma_wait3A_85 : memref<360x128xf32, #tpu.memory_space<hbm>>)
      } else {
      }
      %add3A_30 = arith.constant 32 : i32
      %add3A_31 = arith.addi %add3A_17, %add3A_30 : i32
      %lt3A_32 = arith.constant 2500 : i32
      %lt3A_33 = arith.cmpi slt, %add3A_31, %lt3A_32 : i32
      %convert_element_type3A_34 = arith.extui %lt3A_33 : i1 to i32
      %cond3A_35 = arith.constant 0 : i32
      %cond3A_36 = arith.cmpi ne, %convert_element_type3A_34, %cond3A_35 : i32
      scf.if %cond3A_36 {
        %mul3A_76 = arith.constant 360 : i32
        %mul3A_77 = arith.muli %add3A_31, %mul3A_76 : i32
        %dma_start3A = arith.constant 1 : i32
        %dma_start3A_78 = arith.constant 0 : i32
        %dma_start3A_79 = arith.constant 0 : i32
        %dma_start3A_80 = tpu.memref_slice %arg7[%dma_start3A, %dma_start3A_78, %dma_start3A_79] : memref<2x360x128xf32, #tpu.memory_space<vmem>> -> memref<1x360x128xf32, #tpu.memory_space<vmem>>
        %dma_start3A_81 = tpu.memref_squeeze %dma_start3A_80 : memref<1x360x128xf32, #tpu.memory_space<vmem>> -> memref<360x128xf32, #tpu.memory_space<vmem>>
        %dma_start3A_82 = arith.constant 0 : i32
        %dma_start3A_83 = tpu.memref_slice %arg2[%mul3A_77, %dma_start3A_82] : memref<900000x128xf32, #tpu.memory_space<hbm>> -> memref<360x128xf32, #tpu.memory_space<hbm>>
        %dma_start3A_84 = arith.constant 0 : i32
        %dma_start3A_85 = arith.constant 0 : i32
        %dma_start3A_86 = tpu.memref_slice %arg7[%dma_start3A, %dma_start3A_84, %dma_start3A_85] : memref<2x360x128xf32, #tpu.memory_space<vmem>> -> memref<1x360x128xf32, #tpu.memory_space<vmem>>
        %dma_start3A_87 = tpu.memref_squeeze %dma_start3A_86 : memref<1x360x128xf32, #tpu.memory_space<vmem>> -> memref<360x128xf32, #tpu.memory_space<vmem>>
        %dma_start3A_88 = arith.constant 0 : i32
        %dma_start3A_89 = tpu.memref_slice %arg2[%mul3A_77, %dma_start3A_88] : memref<900000x128xf32, #tpu.memory_space<hbm>> -> memref<360x128xf32, #tpu.memory_space<hbm>>
        tpu.enqueue_dma source(%dma_start3A_89 : memref<360x128xf32, #tpu.memory_space<hbm>>) target(%dma_start3A_87 : memref<360x128xf32, #tpu.memory_space<vmem>>) target_semaphore(%arg14 : memref<!tpu.dma_semaphore, #tpu.memory_space<semaphore_mem>>)
        %mul3A_90 = arith.constant 40 : i32
        %mul3A_91 = arith.muli %add3A_31, %mul3A_90 : i32
        %dma_start3A_92 = arith.constant 1 : i32
        %dma_start3A_93 = arith.constant 0 : i32
        %dma_start3A_94 = tpu.memref_slice %arg8[%dma_start3A_92, %dma_start3A_93] : memref<2x40xi32, #tpu.memory_space<vmem>> -> memref<1x40xi32, #tpu.memory_space<vmem>>
        %dma_start3A_95 = tpu.memref_squeeze %dma_start3A_94 : memref<1x40xi32, #tpu.memory_space<vmem>> -> memref<40xi32, #tpu.memory_space<vmem>>
        %dma_start3A_96 = tpu.memref_slice %arg3[%mul3A_91] : memref<100000xi32, #tpu.memory_space<hbm>> -> memref<40xi32, #tpu.memory_space<hbm>>
        %dma_start3A_97 = arith.constant 0 : i32
        %dma_start3A_98 = tpu.memref_slice %arg8[%dma_start3A_92, %dma_start3A_97] : memref<2x40xi32, #tpu.memory_space<vmem>> -> memref<1x40xi32, #tpu.memory_space<vmem>>
        %dma_start3A_99 = tpu.memref_squeeze %dma_start3A_98 : memref<1x40xi32, #tpu.memory_space<vmem>> -> memref<40xi32, #tpu.memory_space<vmem>>
        %dma_start3A_100 = tpu.memref_slice %arg3[%mul3A_91] : memref<100000xi32, #tpu.memory_space<hbm>> -> memref<40xi32, #tpu.memory_space<hbm>>
        tpu.enqueue_dma source(%dma_start3A_100 : memref<40xi32, #tpu.memory_space<hbm>>) target(%dma_start3A_99 : memref<40xi32, #tpu.memory_space<vmem>>) target_semaphore(%arg16 : memref<!tpu.dma_semaphore, #tpu.memory_space<semaphore_mem>>)
      } else {
      }
      %lt3A_37 = arith.constant 2500 : i32
      %lt3A_38 = arith.cmpi slt, %add3A_17, %lt3A_37 : i32
      %convert_element_type3A_39 = arith.extui %lt3A_38 : i1 to i32
      %cond3A_40 = arith.constant 0 : i32
      %cond3A_41 = arith.cmpi ne, %convert_element_type3A_39, %cond3A_40 : i32
      scf.if %cond3A_41 {
        %dma_wait3A = arith.constant 0 : i32
        %dma_wait3A_76 = arith.constant 0 : i32
        %dma_wait3A_77 = arith.constant 0 : i32
        %dma_wait3A_78 = arith.constant 0 : i32
        %dma_wait3A_79 = tpu.memref_slice %arg9[%dma_wait3A_76, %dma_wait3A_77, %dma_wait3A_78] : memref<2x40x128xf32, #tpu.memory_space<vmem>> -> memref<1x40x128xf32, #tpu.memory_space<vmem>>
        %dma_wait3A_80 = tpu.memref_squeeze %dma_wait3A_79 : memref<1x40x128xf32, #tpu.memory_space<vmem>> -> memref<40x128xf32, #tpu.memory_space<vmem>>
        %dma_wait3A_81 = arith.constant 0 : i32
        %dma_wait3A_82 = tpu.memref_slice %arg8[%dma_wait3A, %dma_wait3A_81] : memref<2x40xi32, #tpu.memory_space<vmem>> -> memref<1x40xi32, #tpu.memory_space<vmem>>
        %dma_wait3A_83 = tpu.memref_squeeze %dma_wait3A_82 : memref<1x40xi32, #tpu.memory_space<vmem>> -> memref<40xi32, #tpu.memory_space<vmem>>
        %dma_wait3A_84 = arith.constant 0 : i32
        %dma_wait3A_85 = arith.constant 0 : i32
        %dma_wait3A_86 = tpu.memref_slice %arg11[%dma_wait3A_84, %dma_wait3A_85] : memref<100x128xf32, #tpu.memory_space<vmem_shared>> -> memref<100x128xf32, #tpu.memory_space<vmem_shared>>
        tpu.wait_indirect_dma semaphore(%arg17 : memref<!tpu.dma_semaphore, #tpu.memory_space<semaphore_mem>>) src(%dma_wait3A_86 : memref<100x128xf32, #tpu.memory_space<vmem_shared>>) dst(%dma_wait3A_80 : memref<40x128xf32, #tpu.memory_space<vmem>>)
        %dma_wait3A_87 = arith.constant 0 : i32
        %dma_wait3A_88 = arith.constant 0 : i32
        %dma_wait3A_89 = arith.constant 0 : i32
        %dma_wait3A_90 = arith.constant 0 : i32
        %dma_wait3A_91 = tpu.memref_slice %arg10[%dma_wait3A_88, %dma_wait3A_89, %dma_wait3A_90] : memref<2x40x128xf32, #tpu.memory_space<vmem>> -> memref<1x40x128xf32, #tpu.memory_space<vmem>>
        %dma_wait3A_92 = tpu.memref_squeeze %dma_wait3A_91 : memref<1x40x128xf32, #tpu.memory_space<vmem>> -> memref<40x128xf32, #tpu.memory_space<vmem>>
        %dma_wait3A_93 = arith.constant 0 : i32
        %dma_wait3A_94 = tpu.memref_slice %arg8[%dma_wait3A_87, %dma_wait3A_93] : memref<2x40xi32, #tpu.memory_space<vmem>> -> memref<1x40xi32, #tpu.memory_space<vmem>>
        %dma_wait3A_95 = tpu.memref_squeeze %dma_wait3A_94 : memref<1x40xi32, #tpu.memory_space<vmem>> -> memref<40xi32, #tpu.memory_space<vmem>>
        %dma_wait3A_96 = arith.constant 0 : i32
        %dma_wait3A_97 = arith.constant 0 : i32
        %dma_wait3A_98 = tpu.memref_slice %arg12[%dma_wait3A_96, %dma_wait3A_97] : memref<100x128xf32, #tpu.memory_space<vmem_shared>> -> memref<100x128xf32, #tpu.memory_space<vmem_shared>>
        tpu.wait_indirect_dma semaphore(%arg17 : memref<!tpu.dma_semaphore, #tpu.memory_space<semaphore_mem>>) src(%dma_wait3A_98 : memref<100x128xf32, #tpu.memory_space<vmem_shared>>) dst(%dma_wait3A_92 : memref<40x128xf32, #tpu.memory_space<vmem>>)
        %scan3A_99 = arith.constant 0 : i32
        %scan3A_100 = arith.constant 0 : i32
        %scan3A_101 = arith.constant 40 : i32
        %scan3A_102 = arith.addi %scan3A_100, %scan3A_101 : i32
        %scan3A_103 = arith.constant 1 : i32
        scf.for %scan3A_119 = %scan3A_100 to %scan3A_102 step %scan3A_103  : i32 {
          %mul3A_120 = arith.constant 9 : i32
          %mul3A_121 = arith.muli %mul3A_120, %scan3A_119 : i32
          %get3A = arith.constant 0 : i32
          %get3A_122 = arith.index_cast %get3A : i32 to index
          %get3A_123 = arith.index_cast %mul3A_121 : i32 to index
          %get3A_124 = arith.constant 0 : index
          %get3A_125 = tpu.vector_load %arg7[%get3A_122, %get3A_123, %get3A_124] {strides = array<i32>} : memref<2x360x128xf32, #tpu.memory_space<vmem>>, vector<1x1x16xf32>,
          %get3A_126 = vector.shape_cast %get3A_125 : vector<1x1x16xf32> to vector<16xf32>
          %get3A_127 = arith.constant 0 : i32
          %get3A_128 = arith.index_cast %get3A_127 : i32 to index
          %get3A_129 = arith.index_cast %scan3A_119 : i32 to index
          %get3A_130 = arith.constant 0 : index
          %get3A_131 = tpu.vector_load %arg9[%get3A_128, %get3A_129, %get3A_130] {strides = array<i32>} : memref<2x40x128xf32, #tpu.memory_space<vmem>>, vector<1x1x16xf32>,
          %get3A_132 = vector.shape_cast %get3A_131 : vector<1x1x16xf32> to vector<16xf32>
          %abs3A = math.absf %get3A_132 : vector<16xf32>
          %get3A_133 = arith.constant 0 : i32
          %get3A_134 = arith.index_cast %get3A_133 : i32 to index
          %get3A_135 = arith.index_cast %scan3A_119 : i32 to index
          %get3A_136 = arith.constant 0 : index
          %get3A_137 = tpu.vector_load %arg10[%get3A_134, %get3A_135, %get3A_136] {strides = array<i32>} : memref<2x40x128xf32, #tpu.memory_space<vmem>>, vector<1x1x16xf32>,
          %get3A_138 = vector.shape_cast %get3A_137 : vector<1x1x16xf32> to vector<16xf32>
          %mul3A_139 = arith.mulf %get3A_126, %abs3A : vector<16xf32>
          %add3A_140 = arith.addf %mul3A_139, %get3A_138 : vector<16xf32>
          %mul3A_141 = arith.constant 9 : i32
          %mul3A_142 = arith.muli %mul3A_141, %scan3A_119 : i32
          %swap3A = arith.constant 0 : i32
          %swap3A_143 = arith.index_cast %swap3A : i32 to index
          %swap3A_144 = arith.index_cast %mul3A_142 : i32 to index
          %swap3A_145 = arith.constant 0 : index
          %swap3A_146 = tpu.vector_load %arg7[%swap3A_143, %swap3A_144, %swap3A_145] {strides = array<i32>} : memref<2x360x128xf32, #tpu.memory_space<vmem>>, vector<1x1x16xf32>,
          %swap3A_147 = vector.shape_cast %swap3A_146 : vector<1x1x16xf32> to vector<16xf32>
          %swap3A_148 = vector.shape_cast %add3A_140 : vector<16xf32> to vector<1x1x16xf32>
          tpu.vector_store %arg7[%swap3A_143, %swap3A_144, %swap3A_145], %swap3A_148 {strides = array<i32>} : memref<2x360x128xf32, #tpu.memory_space<vmem>>, vector<1x1x16xf32>,
          %mul3A_149 = arith.constant 9 : i32
          %mul3A_150 = arith.muli %mul3A_149, %scan3A_119 : i32
          %get3A_151 = arith.constant 0 : i32
          %get3A_152 = arith.index_cast %get3A_151 : i32 to index
          %get3A_153 = arith.index_cast %mul3A_150 : i32 to index
          %get3A_154 = arith.constant 16 : index
          %get3A_155 = tpu.vector_load %arg7[%get3A_152, %get3A_153, %get3A_154] {strides = array<i32>} : memref<2x360x128xf32, #tpu.memory_space<vmem>>, vector<1x1x16xf32>,
          %get3A_156 = vector.shape_cast %get3A_155 : vector<1x1x16xf32> to vector<16xf32>
          %get3A_157 = arith.constant 0 : i32
          %get3A_158 = arith.index_cast %get3A_157 : i32 to index
          %get3A_159 = arith.index_cast %scan3A_119 : i32 to index
          %get3A_160 = arith.constant 16 : index
          %get3A_161 = tpu.vector_load %arg9[%get3A_158, %get3A_159, %get3A_160] {strides = array<i32>} : memref<2x40x128xf32, #tpu.memory_space<vmem>>, vector<1x1x16xf32>,
          %get3A_162 = vector.shape_cast %get3A_161 : vector<1x1x16xf32> to vector<16xf32>
          %abs3A_163 = math.absf %get3A_162 : vector<16xf32>
          %get3A_164 = arith.constant 0 : i32
          %get3A_165 = arith.index_cast %get3A_164 : i32 to index
          %get3A_166 = arith.index_cast %scan3A_119 : i32 to index
          %get3A_167 = arith.constant 16 : index
          %get3A_168 = tpu.vector_load %arg10[%get3A_165, %get3A_166, %get3A_167] {strides = array<i32>} : memref<2x40x128xf32, #tpu.memory_space<vmem>>, vector<1x1x16xf32>,
          %get3A_169 = vector.shape_cast %get3A_168 : vector<1x1x16xf32> to vector<16xf32>
          %mul3A_170 = arith.mulf %get3A_156, %abs3A_163 : vector<16xf32>
          %add3A_171 = arith.addf %mul3A_170, %get3A_169 : vector<16xf32>
          %mul3A_172 = arith.constant 9 : i32
          %mul3A_173 = arith.muli %mul3A_172, %scan3A_119 : i32
          %swap3A_174 = arith.constant 0 : i32
          %swap3A_175 = arith.index_cast %swap3A_174 : i32 to index
          %swap3A_176 = arith.index_cast %mul3A_173 : i32 to index
          %swap3A_177 = arith.constant 16 : index
          %swap3A_178 = tpu.vector_load %arg7[%swap3A_175, %swap3A_176, %swap3A_177] {strides = array<i32>} : memref<2x360x128xf32, #tpu.memory_space<vmem>>, vector<1x1x16xf32>,
          %swap3A_179 = vector.shape_cast %swap3A_178 : vector<1x1x16xf32> to vector<16xf32>
          %swap3A_180 = vector.shape_cast %add3A_171 : vector<16xf32> to vector<1x1x16xf32>
          tpu.vector_store %arg7[%swap3A_175, %swap3A_176, %swap3A_177], %swap3A_180 {strides = array<i32>} : memref<2x360x128xf32, #tpu.memory_space<vmem>>, vector<1x1x16xf32>,
          %mul3A_181 = arith.constant 9 : i32
          %mul3A_182 = arith.muli %mul3A_181, %scan3A_119 : i32
          %get3A_183 = arith.constant 0 : i32
          %get3A_184 = arith.index_cast %get3A_183 : i32 to index
          %get3A_185 = arith.index_cast %mul3A_182 : i32 to index
          %get3A_186 = arith.constant 32 : index
          %get3A_187 = tpu.vector_load %arg7[%get3A_184, %get3A_185, %get3A_186] {strides = array<i32>} : memref<2x360x128xf32, #tpu.memory_space<vmem>>, vector<1x1x16xf32>,
          %get3A_188 = vector.shape_cast %get3A_187 : vector<1x1x16xf32> to vector<16xf32>
          %get3A_189 = arith.constant 0 : i32
          %get3A_190 = arith.index_cast %get3A_189 : i32 to index
          %get3A_191 = arith.index_cast %scan3A_119 : i32 to index
          %get3A_192 = arith.constant 32 : index
          %get3A_193 = tpu.vector_load %arg9[%get3A_190, %get3A_191, %get3A_192] {strides = array<i32>} : memref<2x40x128xf32, #tpu.memory_space<vmem>>, vector<1x1x16xf32>,
          %get3A_194 = vector.shape_cast %get3A_193 : vector<1x1x16xf32> to vector<16xf32>
          %abs3A_195 = math.absf %get3A_194 : vector<16xf32>
          %get3A_196 = arith.constant 0 : i32
          %get3A_197 = arith.index_cast %get3A_196 : i32 to index
          %get3A_198 = arith.index_cast %scan3A_119 : i32 to index
          %get3A_199 = arith.constant 32 : index
          %get3A_200 = tpu.vector_load %arg10[%get3A_197, %get3A_198, %get3A_199] {strides = array<i32>} : memref<2x40x128xf32, #tpu.memory_space<vmem>>, vector<1x1x16xf32>,
          %get3A_201 = vector.shape_cast %get3A_200 : vector<1x1x16xf32> to vector<16xf32>
          %mul3A_202 = arith.mulf %get3A_188, %abs3A_195 : vector<16xf32>
          %add3A_203 = arith.addf %mul3A_202, %get3A_201 : vector<16xf32>
          %mul3A_204 = arith.constant 9 : i32
          %mul3A_205 = arith.muli %mul3A_204, %scan3A_119 : i32
          %swap3A_206 = arith.constant 0 : i32
          %swap3A_207 = arith.index_cast %swap3A_206 : i32 to index
          %swap3A_208 = arith.index_cast %mul3A_205 : i32 to index
          %swap3A_209 = arith.constant 32 : index
          %swap3A_210 = tpu.vector_load %arg7[%swap3A_207, %swap3A_208, %swap3A_209] {strides = array<i32>} : memref<2x360x128xf32, #tpu.memory_space<vmem>>, vector<1x1x16xf32>,
          %swap3A_211 = vector.shape_cast %swap3A_210 : vector<1x1x16xf32> to vector<16xf32>
          %swap3A_212 = vector.shape_cast %add3A_203 : vector<16xf32> to vector<1x1x16xf32>
          tpu.vector_store %arg7[%swap3A_207, %swap3A_208, %swap3A_209], %swap3A_212 {strides = array<i32>} : memref<2x360x128xf32, #tpu.memory_space<vmem>>, vector<1x1x16xf32>,
          %mul3A_213 = arith.constant 9 : i32
          %mul3A_214 = arith.muli %mul3A_213, %scan3A_119 : i32
          %get3A_215 = arith.constant 0 : i32
          %get3A_216 = arith.index_cast %get3A_215 : i32 to index
          %get3A_217 = arith.index_cast %mul3A_214 : i32 to index
          %get3A_218 = arith.constant 48 : index
          %get3A_219 = tpu.vector_load %arg7[%get3A_216, %get3A_217, %get3A_218] {strides = array<i32>} : memref<2x360x128xf32, #tpu.memory_space<vmem>>, vector<1x1x16xf32>,
          %get3A_220 = vector.shape_cast %get3A_219 : vector<1x1x16xf32> to vector<16xf32>
          %get3A_221 = arith.constant 0 : i32
          %get3A_222 = arith.index_cast %get3A_221 : i32 to index
          %get3A_223 = arith.index_cast %scan3A_119 : i32 to index
          %get3A_224 = arith.constant 48 : index
          %get3A_225 = tpu.vector_load %arg9[%get3A_222, %get3A_223, %get3A_224] {strides = array<i32>} : memref<2x40x128xf32, #tpu.memory_space<vmem>>, vector<1x1x16xf32>,
          %get3A_226 = vector.shape_cast %get3A_225 : vector<1x1x16xf32> to vector<16xf32>
          %abs3A_227 = math.absf %get3A_226 : vector<16xf32>
          %get3A_228 = arith.constant 0 : i32
          %get3A_229 = arith.index_cast %get3A_228 : i32 to index
          %get3A_230 = arith.index_cast %scan3A_119 : i32 to index
          %get3A_231 = arith.constant 48 : index
          %get3A_232 = tpu.vector_load %arg10[%get3A_229, %get3A_230, %get3A_231] {strides = array<i32>} : memref<2x40x128xf32, #tpu.memory_space<vmem>>, vector<1x1x16xf32>,
          %get3A_233 = vector.shape_cast %get3A_232 : vector<1x1x16xf32> to vector<16xf32>
          %mul3A_234 = arith.mulf %get3A_220, %abs3A_227 : vector<16xf32>
          %add3A_235 = arith.addf %mul3A_234, %get3A_233 : vector<16xf32>
          %mul3A_236 = arith.constant 9 : i32
          %mul3A_237 = arith.muli %mul3A_236, %scan3A_119 : i32
          %swap3A_238 = arith.constant 0 : i32
          %swap3A_239 = arith.index_cast %swap3A_238 : i32 to index
          %swap3A_240 = arith.index_cast %mul3A_237 : i32 to index
          %swap3A_241 = arith.constant 48 : index
          %swap3A_242 = tpu.vector_load %arg7[%swap3A_239, %swap3A_240, %swap3A_241] {strides = array<i32>} : memref<2x360x128xf32, #tpu.memory_space<vmem>>, vector<1x1x16xf32>,
          %swap3A_243 = vector.shape_cast %swap3A_242 : vector<1x1x16xf32> to vector<16xf32>
          %swap3A_244 = vector.shape_cast %add3A_235 : vector<16xf32> to vector<1x1x16xf32>
          tpu.vector_store %arg7[%swap3A_239, %swap3A_240, %swap3A_241], %swap3A_244 {strides = array<i32>} : memref<2x360x128xf32, #tpu.memory_space<vmem>>, vector<1x1x16xf32>,
          %mul3A_245 = arith.constant 9 : i32
          %mul3A_246 = arith.muli %mul3A_245, %scan3A_119 : i32
          %get3A_247 = arith.constant 0 : i32
          %get3A_248 = arith.index_cast %get3A_247 : i32 to index
          %get3A_249 = arith.index_cast %mul3A_246 : i32 to index
          %get3A_250 = arith.constant 64 : index
          %get3A_251 = tpu.vector_load %arg7[%get3A_248, %get3A_249, %get3A_250] {strides = array<i32>} : memref<2x360x128xf32, #tpu.memory_space<vmem>>, vector<1x1x16xf32>,
          %get3A_252 = vector.shape_cast %get3A_251 : vector<1x1x16xf32> to vector<16xf32>
          %get3A_253 = arith.constant 0 : i32
          %get3A_254 = arith.index_cast %get3A_253 : i32 to index
          %get3A_255 = arith.index_cast %scan3A_119 : i32 to index
          %get3A_256 = arith.constant 64 : index
          %get3A_257 = tpu.vector_load %arg9[%get3A_254, %get3A_255, %get3A_256] {strides = array<i32>} : memref<2x40x128xf32, #tpu.memory_space<vmem>>, vector<1x1x16xf32>,
          %get3A_258 = vector.shape_cast %get3A_257 : vector<1x1x16xf32> to vector<16xf32>
          %abs3A_259 = math.absf %get3A_258 : vector<16xf32>
          %get3A_260 = arith.constant 0 : i32
          %get3A_261 = arith.index_cast %get3A_260 : i32 to index
          %get3A_262 = arith.index_cast %scan3A_119 : i32 to index
          %get3A_263 = arith.constant 64 : index
          %get3A_264 = tpu.vector_load %arg10[%get3A_261, %get3A_262, %get3A_263] {strides = array<i32>} : memref<2x40x128xf32, #tpu.memory_space<vmem>>, vector<1x1x16xf32>,
          %get3A_265 = vector.shape_cast %get3A_264 : vector<1x1x16xf32> to vector<16xf32>
          %mul3A_266 = arith.mulf %get3A_252, %abs3A_259 : vector<16xf32>
          %add3A_267 = arith.addf %mul3A_266, %get3A_265 : vector<16xf32>
          %mul3A_268 = arith.constant 9 : i32
          %mul3A_269 = arith.muli %mul3A_268, %scan3A_119 : i32
          %swap3A_270 = arith.constant 0 : i32
          %swap3A_271 = arith.index_cast %swap3A_270 : i32 to index
          %swap3A_272 = arith.index_cast %mul3A_269 : i32 to index
          %swap3A_273 = arith.constant 64 : index
          %swap3A_274 = tpu.vector_load %arg7[%swap3A_271, %swap3A_272, %swap3A_273] {strides = array<i32>} : memref<2x360x128xf32, #tpu.memory_space<vmem>>, vector<1x1x16xf32>,
          %swap3A_275 = vector.shape_cast %swap3A_274 : vector<1x1x16xf32> to vector<16xf32>
          %swap3A_276 = vector.shape_cast %add3A_267 : vector<16xf32> to vector<1x1x16xf32>
          tpu.vector_store %arg7[%swap3A_271, %swap3A_272, %swap3A_273], %swap3A_276 {strides = array<i32>} : memref<2x360x128xf32, #tpu.memory_space<vmem>>, vector<1x1x16xf32>,
          %mul3A_277 = arith.constant 9 : i32
          %mul3A_278 = arith.muli %mul3A_277, %scan3A_119 : i32
          %get3A_279 = arith.constant 0 : i32
          %get3A_280 = arith.index_cast %get3A_279 : i32 to index
          %get3A_281 = arith.index_cast %mul3A_278 : i32 to index
          %get3A_282 = arith.constant 80 : index
          %get3A_283 = tpu.vector_load %arg7[%get3A_280, %get3A_281, %get3A_282] {strides = array<i32>} : memref<2x360x128xf32, #tpu.memory_space<vmem>>, vector<1x1x16xf32>,
          %get3A_284 = vector.shape_cast %get3A_283 : vector<1x1x16xf32> to vector<16xf32>
          %get3A_285 = arith.constant 0 : i32
          %get3A_286 = arith.index_cast %get3A_285 : i32 to index
          %get3A_287 = arith.index_cast %scan3A_119 : i32 to index
          %get3A_288 = arith.constant 80 : index
          %get3A_289 = tpu.vector_load %arg9[%get3A_286, %get3A_287, %get3A_288] {strides = array<i32>} : memref<2x40x128xf32, #tpu.memory_space<vmem>>, vector<1x1x16xf32>,
          %get3A_290 = vector.shape_cast %get3A_289 : vector<1x1x16xf32> to vector<16xf32>
          %abs3A_291 = math.absf %get3A_290 : vector<16xf32>
          %get3A_292 = arith.constant 0 : i32
          %get3A_293 = arith.index_cast %get3A_292 : i32 to index
          %get3A_294 = arith.index_cast %scan3A_119 : i32 to index
          %get3A_295 = arith.constant 80 : index
          %get3A_296 = tpu.vector_load %arg10[%get3A_293, %get3A_294, %get3A_295] {strides = array<i32>} : memref<2x40x128xf32, #tpu.memory_space<vmem>>, vector<1x1x16xf32>,
          %get3A_297 = vector.shape_cast %get3A_296 : vector<1x1x16xf32> to vector<16xf32>
          %mul3A_298 = arith.mulf %get3A_284, %abs3A_291 : vector<16xf32>
          %add3A_299 = arith.addf %mul3A_298, %get3A_297 : vector<16xf32>
          %mul3A_300 = arith.constant 9 : i32
          %mul3A_301 = arith.muli %mul3A_300, %scan3A_119 : i32
          %swap3A_302 = arith.constant 0 : i32
          %swap3A_303 = arith.index_cast %swap3A_302 : i32 to index
          %swap3A_304 = arith.index_cast %mul3A_301 : i32 to index
          %swap3A_305 = arith.constant 80 : index
          %swap3A_306 = tpu.vector_load %arg7[%swap3A_303, %swap3A_304, %swap3A_305] {strides = array<i32>} : memref<2x360x128xf32, #tpu.memory_space<vmem>>, vector<1x1x16xf32>,
          %swap3A_307 = vector.shape_cast %swap3A_306 : vector<1x1x16xf32> to vector<16xf32>
          %swap3A_308 = vector.shape_cast %add3A_299 : vector<16xf32> to vector<1x1x16xf32>
          tpu.vector_store %arg7[%swap3A_303, %swap3A_304, %swap3A_305], %swap3A_308 {strides = array<i32>} : memref<2x360x128xf32, #tpu.memory_space<vmem>>, vector<1x1x16xf32>,
          %mul3A_309 = arith.constant 9 : i32
          %mul3A_310 = arith.muli %mul3A_309, %scan3A_119 : i32
          %get3A_311 = arith.constant 0 : i32
          %get3A_312 = arith.index_cast %get3A_311 : i32 to index
          %get3A_313 = arith.index_cast %mul3A_310 : i32 to index
          %get3A_314 = arith.constant 96 : index
          %get3A_315 = tpu.vector_load %arg7[%get3A_312, %get3A_313, %get3A_314] {strides = array<i32>} : memref<2x360x128xf32, #tpu.memory_space<vmem>>, vector<1x1x16xf32>,
          %get3A_316 = vector.shape_cast %get3A_315 : vector<1x1x16xf32> to vector<16xf32>
          %get3A_317 = arith.constant 0 : i32
          %get3A_318 = arith.index_cast %get3A_317 : i32 to index
          %get3A_319 = arith.index_cast %scan3A_119 : i32 to index
          %get3A_320 = arith.constant 96 : index
          %get3A_321 = tpu.vector_load %arg9[%get3A_318, %get3A_319, %get3A_320] {strides = array<i32>} : memref<2x40x128xf32, #tpu.memory_space<vmem>>, vector<1x1x16xf32>,
          %get3A_322 = vector.shape_cast %get3A_321 : vector<1x1x16xf32> to vector<16xf32>
          %abs3A_323 = math.absf %get3A_322 : vector<16xf32>
          %get3A_324 = arith.constant 0 : i32
          %get3A_325 = arith.index_cast %get3A_324 : i32 to index
          %get3A_326 = arith.index_cast %scan3A_119 : i32 to index
          %get3A_327 = arith.constant 96 : index
          %get3A_328 = tpu.vector_load %arg10[%get3A_325, %get3A_326, %get3A_327] {strides = array<i32>} : memref<2x40x128xf32, #tpu.memory_space<vmem>>, vector<1x1x16xf32>,
          %get3A_329 = vector.shape_cast %get3A_328 : vector<1x1x16xf32> to vector<16xf32>
          %mul3A_330 = arith.mulf %get3A_316, %abs3A_323 : vector<16xf32>
          %add3A_331 = arith.addf %mul3A_330, %get3A_329 : vector<16xf32>
          %mul3A_332 = arith.constant 9 : i32
          %mul3A_333 = arith.muli %mul3A_332, %scan3A_119 : i32
          %swap3A_334 = arith.constant 0 : i32
          %swap3A_335 = arith.index_cast %swap3A_334 : i32 to index
          %swap3A_336 = arith.index_cast %mul3A_333 : i32 to index
          %swap3A_337 = arith.constant 96 : index
          %swap3A_338 = tpu.vector_load %arg7[%swap3A_335, %swap3A_336, %swap3A_337] {strides = array<i32>} : memref<2x360x128xf32, #tpu.memory_space<vmem>>, vector<1x1x16xf32>,
          %swap3A_339 = vector.shape_cast %swap3A_338 : vector<1x1x16xf32> to vector<16xf32>
          %swap3A_340 = vector.shape_cast %add3A_331 : vector<16xf32> to vector<1x1x16xf32>
          tpu.vector_store %arg7[%swap3A_335, %swap3A_336, %swap3A_337], %swap3A_340 {strides = array<i32>} : memref<2x360x128xf32, #tpu.memory_space<vmem>>, vector<1x1x16xf32>,
          %mul3A_341 = arith.constant 9 : i32
          %mul3A_342 = arith.muli %mul3A_341, %scan3A_119 : i32
          %get3A_343 = arith.constant 0 : i32
          %get3A_344 = arith.index_cast %get3A_343 : i32 to index
          %get3A_345 = arith.index_cast %mul3A_342 : i32 to index
          %get3A_346 = arith.constant 112 : index
          %get3A_347 = tpu.vector_load %arg7[%get3A_344, %get3A_345, %get3A_346] {strides = array<i32>} : memref<2x360x128xf32, #tpu.memory_space<vmem>>, vector<1x1x16xf32>,
          %get3A_348 = vector.shape_cast %get3A_347 : vector<1x1x16xf32> to vector<16xf32>
          %get3A_349 = arith.constant 0 : i32
          %get3A_350 = arith.index_cast %get3A_349 : i32 to index
          %get3A_351 = arith.index_cast %scan3A_119 : i32 to index
          %get3A_352 = arith.constant 112 : index
          %get3A_353 = tpu.vector_load %arg9[%get3A_350, %get3A_351, %get3A_352] {strides = array<i32>} : memref<2x40x128xf32, #tpu.memory_space<vmem>>, vector<1x1x16xf32>,
          %get3A_354 = vector.shape_cast %get3A_353 : vector<1x1x16xf32> to vector<16xf32>
          %abs3A_355 = math.absf %get3A_354 : vector<16xf32>
          %get3A_356 = arith.constant 0 : i32
          %get3A_357 = arith.index_cast %get3A_356 : i32 to index
          %get3A_358 = arith.index_cast %scan3A_119 : i32 to index
          %get3A_359 = arith.constant 112 : index
          %get3A_360 = tpu.vector_load %arg10[%get3A_357, %get3A_358, %get3A_359] {strides = array<i32>} : memref<2x40x128xf32, #tpu.memory_space<vmem>>, vector<1x1x16xf32>,
          %get3A_361 = vector.shape_cast %get3A_360 : vector<1x1x16xf32> to vector<16xf32>
          %mul3A_362 = arith.mulf %get3A_348, %abs3A_355 : vector<16xf32>
          %add3A_363 = arith.addf %mul3A_362, %get3A_361 : vector<16xf32>
          %mul3A_364 = arith.constant 9 : i32
          %mul3A_365 = arith.muli %mul3A_364, %scan3A_119 : i32
          %swap3A_366 = arith.constant 0 : i32
          %swap3A_367 = arith.index_cast %swap3A_366 : i32 to index
          %swap3A_368 = arith.index_cast %mul3A_365 : i32 to index
          %swap3A_369 = arith.constant 112 : index
          %swap3A_370 = tpu.vector_load %arg7[%swap3A_367, %swap3A_368, %swap3A_369] {strides = array<i32>} : memref<2x360x128xf32, #tpu.memory_space<vmem>>, vector<1x1x16xf32>,
          %swap3A_371 = vector.shape_cast %swap3A_370 : vector<1x1x16xf32> to vector<16xf32>
          %swap3A_372 = vector.shape_cast %add3A_363 : vector<16xf32> to vector<1x1x16xf32>
          tpu.vector_store %arg7[%swap3A_367, %swap3A_368, %swap3A_369], %swap3A_372 {strides = array<i32>} : memref<2x360x128xf32, #tpu.memory_space<vmem>>, vector<1x1x16xf32>,
        }
        %scan3A_104 = arith.constant 40 : i32
        %mul3A_105 = arith.constant 360 : i32
        %mul3A_106 = arith.muli %add3A_17, %mul3A_105 : i32
        %dma_start3A = arith.constant 0 : i32
        %dma_start3A_107 = arith.constant 0 : i32
        %dma_start3A_108 = arith.constant 0 : i32
        %dma_start3A_109 = tpu.memref_slice %arg7[%dma_start3A, %dma_start3A_107, %dma_start3A_108] : memref<2x360x128xf32, #tpu.memory_space<vmem>> -> memref<1x360x128xf32, #tpu.memory_space<vmem>>
        %dma_start3A_110 = tpu.memref_squeeze %dma_start3A_109 : memref<1x360x128xf32, #tpu.memory_space<vmem>> -> memref<360x128xf32, #tpu.memory_space<vmem>>
        %dma_start3A_111 = arith.constant 0 : i32
        %dma_start3A_112 = tpu.memref_slice %arg6[%mul3A_106, %dma_start3A_111] : memref<900000x128xf32, #tpu.memory_space<hbm>> -> memref<360x128xf32, #tpu.memory_space<hbm>>
        %dma_start3A_113 = arith.constant 0 : i32
        %dma_start3A_114 = tpu.memref_slice %arg6[%mul3A_106, %dma_start3A_113] : memref<900000x128xf32, #tpu.memory_space<hbm>> -> memref<360x128xf32, #tpu.memory_space<hbm>>
        %dma_start3A_115 = arith.constant 0 : i32
        %dma_start3A_116 = arith.constant 0 : i32
        %dma_start3A_117 = tpu.memref_slice %arg7[%dma_start3A, %dma_start3A_115, %dma_start3A_116] : memref<2x360x128xf32, #tpu.memory_space<vmem>> -> memref<1x360x128xf32, #tpu.memory_space<vmem>>
        %dma_start3A_118 = tpu.memref_squeeze %dma_start3A_117 : memref<1x360x128xf32, #tpu.memory_space<vmem>> -> memref<360x128xf32, #tpu.memory_space<vmem>>
        tpu.enqueue_dma source(%dma_start3A_118 : memref<360x128xf32, #tpu.memory_space<vmem>>) target(%dma_start3A_114 : memref<360x128xf32, #tpu.memory_space<hbm>>) target_semaphore(%arg19 : memref<!tpu.dma_semaphore, #tpu.memory_space<semaphore_mem>>)
      } else {
      }
      %mul3A_42 = arith.constant 2 : i32
      %mul3A_43 = arith.muli %mul3A_42, %scan3A_12 : i32
      %add3A_44 = arith.constant 1 : i32
      %add3A_45 = arith.addi %mul3A_43, %add3A_44 : i32
      %mul3A_46 = arith.constant 32 : i32
      %mul3A_47 = arith.muli %mul3A_46, %add3A_45 : i32
      %add3A_48 = arith.addi %add3A, %mul3A_47 : i32
      %sub3A_49 = arith.constant 32 : i32
      %sub3A_50 = arith.subi %add3A_48, %sub3A_49 : i32
      %lt3A_51 = arith.constant 2500 : i32
      %lt3A_52 = arith.cmpi slt, %add3A_48, %lt3A_51 : i32
      %convert_element_type3A_53 = arith.extui %lt3A_52 : i1 to i32
      %cond3A_54 = arith.constant 0 : i32
      %cond3A_55 = arith.cmpi ne, %convert_element_type3A_53, %cond3A_54 : i32
      scf.if %cond3A_55 {
        %mul3A_76 = arith.constant 40 : i32
        %mul3A_77 = arith.muli %add3A_48, %mul3A_76 : i32
        %dma_wait3A = arith.constant 1 : i32
        %dma_wait3A_78 = arith.constant 0 : i32
        %dma_wait3A_79 = tpu.memref_slice %arg8[%dma_wait3A, %dma_wait3A_78] : memref<2x40xi32, #tpu.memory_space<vmem>> -> memref<1x40xi32, #tpu.memory_space<vmem>>
        %dma_wait3A_80 = tpu.memref_squeeze %dma_wait3A_79 : memref<1x40xi32, #tpu.memory_space<vmem>> -> memref<40xi32, #tpu.memory_space<vmem>>
        %dma_wait3A_81 = tpu.memref_slice %arg3[%mul3A_77] : memref<100000xi32, #tpu.memory_space<hbm>> -> memref<40xi32, #tpu.memory_space<hbm>>
        %dma_wait3A_82 = arith.constant 0 : i32
        %dma_wait3A_83 = tpu.memref_slice %arg8[%dma_wait3A, %dma_wait3A_82] : memref<2x40xi32, #tpu.memory_space<vmem>> -> memref<1x40xi32, #tpu.memory_space<vmem>>
        %dma_wait3A_84 = tpu.memref_squeeze %dma_wait3A_83 : memref<1x40xi32, #tpu.memory_space<vmem>> -> memref<40xi32, #tpu.memory_space<vmem>>
        %dma_wait3A_85 = tpu.memref_slice %arg3[%mul3A_77] : memref<100000xi32, #tpu.memory_space<hbm>> -> memref<40xi32, #tpu.memory_space<hbm>>
        tpu.wait_dma2 semaphore(%arg16 : memref<!tpu.dma_semaphore, #tpu.memory_space<semaphore_mem>>) src(%dma_wait3A_85 : memref<40xi32, #tpu.memory_space<hbm>>) dst(%dma_wait3A_84 : memref<40xi32, #tpu.memory_space<vmem>>)
        %dma_start3A = arith.constant 1 : i32
        %dma_start3A_86 = arith.constant 1 : i32
        %dma_start3A_87 = arith.constant 0 : i32
        %dma_start3A_88 = arith.constant 0 : i32
        %dma_start3A_89 = tpu.memref_slice %arg9[%dma_start3A_86, %dma_start3A_87, %dma_start3A_88] : memref<2x40x128xf32, #tpu.memory_space<vmem>> -> memref<1x40x128xf32, #tpu.memory_space<vmem>>
        %dma_start3A_90 = tpu.memref_squeeze %dma_start3A_89 : memref<1x40x128xf32, #tpu.memory_space<vmem>> -> memref<40x128xf32, #tpu.memory_space<vmem>>
        %dma_start3A_91 = arith.constant 0 : i32
        %dma_start3A_92 = tpu.memref_slice %arg8[%dma_start3A, %dma_start3A_91] : memref<2x40xi32, #tpu.memory_space<vmem>> -> memref<1x40xi32, #tpu.memory_space<vmem>>
        %dma_start3A_93 = tpu.memref_squeeze %dma_start3A_92 : memref<1x40xi32, #tpu.memory_space<vmem>> -> memref<40xi32, #tpu.memory_space<vmem>>
        %dma_start3A_94 = arith.constant 0 : i32
        %dma_start3A_95 = arith.constant 0 : i32
        %dma_start3A_96 = tpu.memref_slice %arg11[%dma_start3A_94, %dma_start3A_95] : memref<100x128xf32, #tpu.memory_space<vmem_shared>> -> memref<100x128xf32, #tpu.memory_space<vmem_shared>>
        tpu.enqueue_indirect_dma source(%dma_start3A_96 : memref<100x128xf32, #tpu.memory_space<vmem_shared>>) target(%dma_start3A_90 : memref<40x128xf32, #tpu.memory_space<vmem>>) offsets(%dma_start3A_93 : memref<40xi32, #tpu.memory_space<vmem>>) semaphore(%arg18 : memref<!tpu.dma_semaphore, #tpu.memory_space<semaphore_mem>>)
        %dma_start3A_97 = arith.constant 1 : i32
        %dma_start3A_98 = arith.constant 1 : i32
        %dma_start3A_99 = arith.constant 0 : i32
        %dma_start3A_100 = arith.constant 0 : i32
        %dma_start3A_101 = tpu.memref_slice %arg10[%dma_start3A_98, %dma_start3A_99, %dma_start3A_100] : memref<2x40x128xf32, #tpu.memory_space<vmem>> -> memref<1x40x128xf32, #tpu.memory_space<vmem>>
        %dma_start3A_102 = tpu.memref_squeeze %dma_start3A_101 : memref<1x40x128xf32, #tpu.memory_space<vmem>> -> memref<40x128xf32, #tpu.memory_space<vmem>>
        %dma_start3A_103 = arith.constant 0 : i32
        %dma_start3A_104 = tpu.memref_slice %arg8[%dma_start3A_97, %dma_start3A_103] : memref<2x40xi32, #tpu.memory_space<vmem>> -> memref<1x40xi32, #tpu.memory_space<vmem>>
        %dma_start3A_105 = tpu.memref_squeeze %dma_start3A_104 : memref<1x40xi32, #tpu.memory_space<vmem>> -> memref<40xi32, #tpu.memory_space<vmem>>
        %dma_start3A_106 = arith.constant 0 : i32
        %dma_start3A_107 = arith.constant 0 : i32
        %dma_start3A_108 = tpu.memref_slice %arg12[%dma_start3A_106, %dma_start3A_107] : memref<100x128xf32, #tpu.memory_space<vmem_shared>> -> memref<100x128xf32, #tpu.memory_space<vmem_shared>>
        tpu.enqueue_indirect_dma source(%dma_start3A_108 : memref<100x128xf32, #tpu.memory_space<vmem_shared>>) target(%dma_start3A_102 : memref<40x128xf32, #tpu.memory_space<vmem>>) offsets(%dma_start3A_105 : memref<40xi32, #tpu.memory_space<vmem>>) semaphore(%arg18 : memref<!tpu.dma_semaphore, #tpu.memory_space<semaphore_mem>>)
        %mul3A_109 = arith.constant 360 : i32
        %mul3A_110 = arith.muli %add3A_48, %mul3A_109 : i32
        %dma_wait3A_111 = arith.constant 1 : i32
        %dma_wait3A_112 = arith.constant 0 : i32
        %dma_wait3A_113 = arith.constant 0 : i32
        %dma_wait3A_114 = tpu.memref_slice %arg7[%dma_wait3A_111, %dma_wait3A_112, %dma_wait3A_113] : memref<2x360x128xf32, #tpu.memory_space<vmem>> -> memref<1x360x128xf32, #tpu.memory_space<vmem>>
        %dma_wait3A_115 = tpu.memref_squeeze %dma_wait3A_114 : memref<1x360x128xf32, #tpu.memory_space<vmem>> -> memref<360x128xf32, #tpu.memory_space<vmem>>
        %dma_wait3A_116 = arith.constant 0 : i32
        %dma_wait3A_117 = tpu.memref_slice %arg2[%mul3A_110, %dma_wait3A_116] : memref<900000x128xf32, #tpu.memory_space<hbm>> -> memref<360x128xf32, #tpu.memory_space<hbm>>
        %dma_wait3A_118 = arith.constant 0 : i32
        %dma_wait3A_119 = arith.constant 0 : i32
        %dma_wait3A_120 = tpu.memref_slice %arg7[%dma_wait3A_111, %dma_wait3A_118, %dma_wait3A_119] : memref<2x360x128xf32, #tpu.memory_space<vmem>> -> memref<1x360x128xf32, #tpu.memory_space<vmem>>
        %dma_wait3A_121 = tpu.memref_squeeze %dma_wait3A_120 : memref<1x360x128xf32, #tpu.memory_space<vmem>> -> memref<360x128xf32, #tpu.memory_space<vmem>>
        %dma_wait3A_122 = arith.constant 0 : i32
        %dma_wait3A_123 = tpu.memref_slice %arg2[%mul3A_110, %dma_wait3A_122] : memref<900000x128xf32, #tpu.memory_space<hbm>> -> memref<360x128xf32, #tpu.memory_space<hbm>>
        tpu.wait_dma2 semaphore(%arg14 : memref<!tpu.dma_semaphore, #tpu.memory_space<semaphore_mem>>) src(%dma_wait3A_123 : memref<360x128xf32, #tpu.memory_space<hbm>>) dst(%dma_wait3A_121 : memref<360x128xf32, #tpu.memory_space<vmem>>)
      } else {
      }
      %ge3A_56 = arith.constant 0 : i32
      %ge3A_57 = arith.cmpi sge, %sub3A_50, %ge3A_56 : i32
      %lt3A_58 = arith.constant 2500 : i32
      %lt3A_59 = arith.cmpi slt, %sub3A_50, %lt3A_58 : i32
      %and3A_60 = arith.andi %ge3A_57, %lt3A_59 : i1
      %convert_element_type3A_61 = arith.extui %and3A_60 : i1 to i32
      %cond3A_62 = arith.constant 0 : i32
      %cond3A_63 = arith.cmpi ne, %convert_element_type3A_61, %cond3A_62 : i32
      scf.if %cond3A_63 {
        %mul3A_76 = arith.constant 360 : i32
        %mul3A_77 = arith.muli %sub3A_50, %mul3A_76 : i32
        %dma_wait3A = arith.constant 0 : i32
        %dma_wait3A_78 = arith.constant 0 : i32
        %dma_wait3A_79 = arith.constant 0 : i32
        %dma_wait3A_80 = tpu.memref_slice %arg7[%dma_wait3A, %dma_wait3A_78, %dma_wait3A_79] : memref<2x360x128xf32, #tpu.memory_space<vmem>> -> memref<1x360x128xf32, #tpu.memory_space<vmem>>
        %dma_wait3A_81 = tpu.memref_squeeze %dma_wait3A_80 : memref<1x360x128xf32, #tpu.memory_space<vmem>> -> memref<360x128xf32, #tpu.memory_space<vmem>>
        %dma_wait3A_82 = arith.constant 0 : i32
        %dma_wait3A_83 = tpu.memref_slice %arg6[%mul3A_77, %dma_wait3A_82] : memref<900000x128xf32, #tpu.memory_space<hbm>> -> memref<360x128xf32, #tpu.memory_space<hbm>>
        %dma_wait3A_84 = arith.constant 0 : i32
        %dma_wait3A_85 = tpu.memref_slice %arg6[%mul3A_77, %dma_wait3A_84] : memref<900000x128xf32, #tpu.memory_space<hbm>> -> memref<360x128xf32, #tpu.memory_space<hbm>>
        %dma_wait3A_86 = arith.constant 0 : i32
        %dma_wait3A_87 = arith.constant 0 : i32
        %dma_wait3A_88 = tpu.memref_slice %arg7[%dma_wait3A, %dma_wait3A_86, %dma_wait3A_87] : memref<2x360x128xf32, #tpu.memory_space<vmem>> -> memref<1x360x128xf32, #tpu.memory_space<vmem>>
        %dma_wait3A_89 = tpu.memref_squeeze %dma_wait3A_88 : memref<1x360x128xf32, #tpu.memory_space<vmem>> -> memref<360x128xf32, #tpu.memory_space<vmem>>
        tpu.wait_dma2 semaphore(%arg19 : memref<!tpu.dma_semaphore, #tpu.memory_space<semaphore_mem>>) src(%dma_wait3A_89 : memref<360x128xf32, #tpu.memory_space<vmem>>) dst(%dma_wait3A_85 : memref<360x128xf32, #tpu.memory_space<hbm>>)
      } else {
      }
      %add3A_64 = arith.constant 32 : i32
      %add3A_65 = arith.addi %add3A_48, %add3A_64 : i32
      %lt3A_66 = arith.constant 2500 : i32
      %lt3A_67 = arith.cmpi slt, %add3A_65, %lt3A_66 : i32
      %convert_element_type3A_68 = arith.extui %lt3A_67 : i1 to i32
      %cond3A_69 = arith.constant 0 : i32
      %cond3A_70 = arith.cmpi ne, %convert_element_type3A_68, %cond3A_69 : i32
      scf.if %cond3A_70 {
        %mul3A_76 = arith.constant 360 : i32
        %mul3A_77 = arith.muli %add3A_65, %mul3A_76 : i32
        %dma_start3A = arith.constant 0 : i32
        %dma_start3A_78 = arith.constant 0 : i32
        %dma_start3A_79 = arith.constant 0 : i32
        %dma_start3A_80 = tpu.memref_slice %arg7[%dma_start3A, %dma_start3A_78, %dma_start3A_79] : memref<2x360x128xf32, #tpu.memory_space<vmem>> -> memref<1x360x128xf32, #tpu.memory_space<vmem>>
        %dma_start3A_81 = tpu.memref_squeeze %dma_start3A_80 : memref<1x360x128xf32, #tpu.memory_space<vmem>> -> memref<360x128xf32, #tpu.memory_space<vmem>>
        %dma_start3A_82 = arith.constant 0 : i32
        %dma_start3A_83 = tpu.memref_slice %arg2[%mul3A_77, %dma_start3A_82] : memref<900000x128xf32, #tpu.memory_space<hbm>> -> memref<360x128xf32, #tpu.memory_space<hbm>>
        %dma_start3A_84 = arith.constant 0 : i32
        %dma_start3A_85 = arith.constant 0 : i32
        %dma_start3A_86 = tpu.memref_slice %arg7[%dma_start3A, %dma_start3A_84, %dma_start3A_85] : memref<2x360x128xf32, #tpu.memory_space<vmem>> -> memref<1x360x128xf32, #tpu.memory_space<vmem>>
        %dma_start3A_87 = tpu.memref_squeeze %dma_start3A_86 : memref<1x360x128xf32, #tpu.memory_space<vmem>> -> memref<360x128xf32, #tpu.memory_space<vmem>>
        %dma_start3A_88 = arith.constant 0 : i32
        %dma_start3A_89 = tpu.memref_slice %arg2[%mul3A_77, %dma_start3A_88] : memref<900000x128xf32, #tpu.memory_space<hbm>> -> memref<360x128xf32, #tpu.memory_space<hbm>>
        tpu.enqueue_dma source(%dma_start3A_89 : memref<360x128xf32, #tpu.memory_space<hbm>>) target(%dma_start3A_87 : memref<360x128xf32, #tpu.memory_space<vmem>>) target_semaphore(%arg13 : memref<!tpu.dma_semaphore, #tpu.memory_space<semaphore_mem>>)
        %mul3A_90 = arith.constant 40 : i32
        %mul3A_91 = arith.muli %add3A_65, %mul3A_90 : i32
        %dma_start3A_92 = arith.constant 0 : i32
        %dma_start3A_93 = arith.constant 0 : i32
        %dma_start3A_94 = tpu.memref_slice %arg8[%dma_start3A_92, %dma_start3A_93] : memref<2x40xi32, #tpu.memory_space<vmem>> -> memref<1x40xi32, #tpu.memory_space<vmem>>
        %dma_start3A_95 = tpu.memref_squeeze %dma_start3A_94 : memref<1x40xi32, #tpu.memory_space<vmem>> -> memref<40xi32, #tpu.memory_space<vmem>>
        %dma_start3A_96 = tpu.memref_slice %arg3[%mul3A_91] : memref<100000xi32, #tpu.memory_space<hbm>> -> memref<40xi32, #tpu.memory_space<hbm>>
        %dma_start3A_97 = arith.constant 0 : i32
        %dma_start3A_98 = tpu.memref_slice %arg8[%dma_start3A_92, %dma_start3A_97] : memref<2x40xi32, #tpu.memory_space<vmem>> -> memref<1x40xi32, #tpu.memory_space<vmem>>
        %dma_start3A_99 = tpu.memref_squeeze %dma_start3A_98 : memref<1x40xi32, #tpu.memory_space<vmem>> -> memref<40xi32, #tpu.memory_space<vmem>>
        %dma_start3A_100 = tpu.memref_slice %arg3[%mul3A_91] : memref<100000xi32, #tpu.memory_space<hbm>> -> memref<40xi32, #tpu.memory_space<hbm>>
        tpu.enqueue_dma source(%dma_start3A_100 : memref<40xi32, #tpu.memory_space<hbm>>) target(%dma_start3A_99 : memref<40xi32, #tpu.memory_space<vmem>>) target_semaphore(%arg15 : memref<!tpu.dma_semaphore, #tpu.memory_space<semaphore_mem>>)
      } else {
      }
      %lt3A_71 = arith.constant 2500 : i32
      %lt3A_72 = arith.cmpi slt, %add3A_48, %lt3A_71 : i32
      %convert_element_type3A_73 = arith.extui %lt3A_72 : i1 to i32
      %cond3A_74 = arith.constant 0 : i32
      %cond3A_75 = arith.cmpi ne, %convert_element_type3A_73, %cond3A_74 : i32
      scf.if %cond3A_75 {
        %dma_wait3A = arith.constant 1 : i32
        %dma_wait3A_76 = arith.constant 1 : i32
        %dma_wait3A_77 = arith.constant 0 : i32
        %dma_wait3A_78 = arith.constant 0 : i32
        %dma_wait3A_79 = tpu.memref_slice %arg9[%dma_wait3A_76, %dma_wait3A_77, %dma_wait3A_78] : memref<2x40x128xf32, #tpu.memory_space<vmem>> -> memref<1x40x128xf32, #tpu.memory_space<vmem>>
        %dma_wait3A_80 = tpu.memref_squeeze %dma_wait3A_79 : memref<1x40x128xf32, #tpu.memory_space<vmem>> -> memref<40x128xf32, #tpu.memory_space<vmem>>
        %dma_wait3A_81 = arith.constant 0 : i32
        %dma_wait3A_82 = tpu.memref_slice %arg8[%dma_wait3A, %dma_wait3A_81] : memref<2x40xi32, #tpu.memory_space<vmem>> -> memref<1x40xi32, #tpu.memory_space<vmem>>
        %dma_wait3A_83 = tpu.memref_squeeze %dma_wait3A_82 : memref<1x40xi32, #tpu.memory_space<vmem>> -> memref<40xi32, #tpu.memory_space<vmem>>
        %dma_wait3A_84 = arith.constant 0 : i32
        %dma_wait3A_85 = arith.constant 0 : i32
        %dma_wait3A_86 = tpu.memref_slice %arg11[%dma_wait3A_84, %dma_wait3A_85] : memref<100x128xf32, #tpu.memory_space<vmem_shared>> -> memref<100x128xf32, #tpu.memory_space<vmem_shared>>
        tpu.wait_indirect_dma semaphore(%arg18 : memref<!tpu.dma_semaphore, #tpu.memory_space<semaphore_mem>>) src(%dma_wait3A_86 : memref<100x128xf32, #tpu.memory_space<vmem_shared>>) dst(%dma_wait3A_80 : memref<40x128xf32, #tpu.memory_space<vmem>>)
        %dma_wait3A_87 = arith.constant 1 : i32
        %dma_wait3A_88 = arith.constant 1 : i32
        %dma_wait3A_89 = arith.constant 0 : i32
        %dma_wait3A_90 = arith.constant 0 : i32
        %dma_wait3A_91 = tpu.memref_slice %arg10[%dma_wait3A_88, %dma_wait3A_89, %dma_wait3A_90] : memref<2x40x128xf32, #tpu.memory_space<vmem>> -> memref<1x40x128xf32, #tpu.memory_space<vmem>>
        %dma_wait3A_92 = tpu.memref_squeeze %dma_wait3A_91 : memref<1x40x128xf32, #tpu.memory_space<vmem>> -> memref<40x128xf32, #tpu.memory_space<vmem>>
        %dma_wait3A_93 = arith.constant 0 : i32
        %dma_wait3A_94 = tpu.memref_slice %arg8[%dma_wait3A_87, %dma_wait3A_93] : memref<2x40xi32, #tpu.memory_space<vmem>> -> memref<1x40xi32, #tpu.memory_space<vmem>>
        %dma_wait3A_95 = tpu.memref_squeeze %dma_wait3A_94 : memref<1x40xi32, #tpu.memory_space<vmem>> -> memref<40xi32, #tpu.memory_space<vmem>>
        %dma_wait3A_96 = arith.constant 0 : i32
        %dma_wait3A_97 = arith.constant 0 : i32
        %dma_wait3A_98 = tpu.memref_slice %arg12[%dma_wait3A_96, %dma_wait3A_97] : memref<100x128xf32, #tpu.memory_space<vmem_shared>> -> memref<100x128xf32, #tpu.memory_space<vmem_shared>>
        tpu.wait_indirect_dma semaphore(%arg18 : memref<!tpu.dma_semaphore, #tpu.memory_space<semaphore_mem>>) src(%dma_wait3A_98 : memref<100x128xf32, #tpu.memory_space<vmem_shared>>) dst(%dma_wait3A_92 : memref<40x128xf32, #tpu.memory_space<vmem>>)
        %scan3A_99 = arith.constant 0 : i32
        %scan3A_100 = arith.constant 0 : i32
        %scan3A_101 = arith.constant 40 : i32
        %scan3A_102 = arith.addi %scan3A_100, %scan3A_101 : i32
        %scan3A_103 = arith.constant 1 : i32
        scf.for %scan3A_119 = %scan3A_100 to %scan3A_102 step %scan3A_103  : i32 {
          %mul3A_120 = arith.constant 9 : i32
          %mul3A_121 = arith.muli %mul3A_120, %scan3A_119 : i32
          %get3A = arith.constant 1 : i32
          %get3A_122 = arith.index_cast %get3A : i32 to index
          %get3A_123 = arith.index_cast %mul3A_121 : i32 to index
          %get3A_124 = arith.constant 0 : index
          %get3A_125 = tpu.vector_load %arg7[%get3A_122, %get3A_123, %get3A_124] {strides = array<i32>} : memref<2x360x128xf32, #tpu.memory_space<vmem>>, vector<1x1x16xf32>,
          %get3A_126 = vector.shape_cast %get3A_125 : vector<1x1x16xf32> to vector<16xf32>
          %get3A_127 = arith.constant 1 : i32
          %get3A_128 = arith.index_cast %get3A_127 : i32 to index
          %get3A_129 = arith.index_cast %scan3A_119 : i32 to index
          %get3A_130 = arith.constant 0 : index
          %get3A_131 = tpu.vector_load %arg9[%get3A_128, %get3A_129, %get3A_130] {strides = array<i32>} : memref<2x40x128xf32, #tpu.memory_space<vmem>>, vector<1x1x16xf32>,
          %get3A_132 = vector.shape_cast %get3A_131 : vector<1x1x16xf32> to vector<16xf32>
          %abs3A = math.absf %get3A_132 : vector<16xf32>
          %get3A_133 = arith.constant 1 : i32
          %get3A_134 = arith.index_cast %get3A_133 : i32 to index
          %get3A_135 = arith.index_cast %scan3A_119 : i32 to index
          %get3A_136 = arith.constant 0 : index
          %get3A_137 = tpu.vector_load %arg10[%get3A_134, %get3A_135, %get3A_136] {strides = array<i32>} : memref<2x40x128xf32, #tpu.memory_space<vmem>>, vector<1x1x16xf32>,
          %get3A_138 = vector.shape_cast %get3A_137 : vector<1x1x16xf32> to vector<16xf32>
          %mul3A_139 = arith.mulf %get3A_126, %abs3A : vector<16xf32>
          %add3A_140 = arith.addf %mul3A_139, %get3A_138 : vector<16xf32>
          %mul3A_141 = arith.constant 9 : i32
          %mul3A_142 = arith.muli %mul3A_141, %scan3A_119 : i32
          %swap3A = arith.constant 1 : i32
          %swap3A_143 = arith.index_cast %swap3A : i32 to index
          %swap3A_144 = arith.index_cast %mul3A_142 : i32 to index
          %swap3A_145 = arith.constant 0 : index
          %swap3A_146 = tpu.vector_load %arg7[%swap3A_143, %swap3A_144, %swap3A_145] {strides = array<i32>} : memref<2x360x128xf32, #tpu.memory_space<vmem>>, vector<1x1x16xf32>,
          %swap3A_147 = vector.shape_cast %swap3A_146 : vector<1x1x16xf32> to vector<16xf32>
          %swap3A_148 = vector.shape_cast %add3A_140 : vector<16xf32> to vector<1x1x16xf32>
          tpu.vector_store %arg7[%swap3A_143, %swap3A_144, %swap3A_145], %swap3A_148 {strides = array<i32>} : memref<2x360x128xf32, #tpu.memory_space<vmem>>, vector<1x1x16xf32>,
          %mul3A_149 = arith.constant 9 : i32
          %mul3A_150 = arith.muli %mul3A_149, %scan3A_119 : i32
          %get3A_151 = arith.constant 1 : i32
          %get3A_152 = arith.index_cast %get3A_151 : i32 to index
          %get3A_153 = arith.index_cast %mul3A_150 : i32 to index
          %get3A_154 = arith.constant 16 : index
          %get3A_155 = tpu.vector_load %arg7[%get3A_152, %get3A_153, %get3A_154] {strides = array<i32>} : memref<2x360x128xf32, #tpu.memory_space<vmem>>, vector<1x1x16xf32>,
          %get3A_156 = vector.shape_cast %get3A_155 : vector<1x1x16xf32> to vector<16xf32>
          %get3A_157 = arith.constant 1 : i32
          %get3A_158 = arith.index_cast %get3A_157 : i32 to index
          %get3A_159 = arith.index_cast %scan3A_119 : i32 to index
          %get3A_160 = arith.constant 16 : index
          %get3A_161 = tpu.vector_load %arg9[%get3A_158, %get3A_159, %get3A_160] {strides = array<i32>} : memref<2x40x128xf32, #tpu.memory_space<vmem>>, vector<1x1x16xf32>,
          %get3A_162 = vector.shape_cast %get3A_161 : vector<1x1x16xf32> to vector<16xf32>
          %abs3A_163 = math.absf %get3A_162 : vector<16xf32>
          %get3A_164 = arith.constant 1 : i32
          %get3A_165 = arith.index_cast %get3A_164 : i32 to index
          %get3A_166 = arith.index_cast %scan3A_119 : i32 to index
          %get3A_167 = arith.constant 16 : index
          %get3A_168 = tpu.vector_load %arg10[%get3A_165, %get3A_166, %get3A_167] {strides = array<i32>} : memref<2x40x128xf32, #tpu.memory_space<vmem>>, vector<1x1x16xf32>,
          %get3A_169 = vector.shape_cast %get3A_168 : vector<1x1x16xf32> to vector<16xf32>
          %mul3A_170 = arith.mulf %get3A_156, %abs3A_163 : vector<16xf32>
          %add3A_171 = arith.addf %mul3A_170, %get3A_169 : vector<16xf32>
          %mul3A_172 = arith.constant 9 : i32
          %mul3A_173 = arith.muli %mul3A_172, %scan3A_119 : i32
          %swap3A_174 = arith.constant 1 : i32
          %swap3A_175 = arith.index_cast %swap3A_174 : i32 to index
          %swap3A_176 = arith.index_cast %mul3A_173 : i32 to index
          %swap3A_177 = arith.constant 16 : index
          %swap3A_178 = tpu.vector_load %arg7[%swap3A_175, %swap3A_176, %swap3A_177] {strides = array<i32>} : memref<2x360x128xf32, #tpu.memory_space<vmem>>, vector<1x1x16xf32>,
          %swap3A_179 = vector.shape_cast %swap3A_178 : vector<1x1x16xf32> to vector<16xf32>
          %swap3A_180 = vector.shape_cast %add3A_171 : vector<16xf32> to vector<1x1x16xf32>
          tpu.vector_store %arg7[%swap3A_175, %swap3A_176, %swap3A_177], %swap3A_180 {strides = array<i32>} : memref<2x360x128xf32, #tpu.memory_space<vmem>>, vector<1x1x16xf32>,
          %mul3A_181 = arith.constant 9 : i32
          %mul3A_182 = arith.muli %mul3A_181, %scan3A_119 : i32
          %get3A_183 = arith.constant 1 : i32
          %get3A_184 = arith.index_cast %get3A_183 : i32 to index
          %get3A_185 = arith.index_cast %mul3A_182 : i32 to index
          %get3A_186 = arith.constant 32 : index
          %get3A_187 = tpu.vector_load %arg7[%get3A_184, %get3A_185, %get3A_186] {strides = array<i32>} : memref<2x360x128xf32, #tpu.memory_space<vmem>>, vector<1x1x16xf32>,
          %get3A_188 = vector.shape_cast %get3A_187 : vector<1x1x16xf32> to vector<16xf32>
          %get3A_189 = arith.constant 1 : i32
          %get3A_190 = arith.index_cast %get3A_189 : i32 to index
          %get3A_191 = arith.index_cast %scan3A_119 : i32 to index
          %get3A_192 = arith.constant 32 : index
          %get3A_193 = tpu.vector_load %arg9[%get3A_190, %get3A_191, %get3A_192] {strides = array<i32>} : memref<2x40x128xf32, #tpu.memory_space<vmem>>, vector<1x1x16xf32>,
          %get3A_194 = vector.shape_cast %get3A_193 : vector<1x1x16xf32> to vector<16xf32>
          %abs3A_195 = math.absf %get3A_194 : vector<16xf32>
          %get3A_196 = arith.constant 1 : i32
          %get3A_197 = arith.index_cast %get3A_196 : i32 to index
          %get3A_198 = arith.index_cast %scan3A_119 : i32 to index
          %get3A_199 = arith.constant 32 : index
          %get3A_200 = tpu.vector_load %arg10[%get3A_197, %get3A_198, %get3A_199] {strides = array<i32>} : memref<2x40x128xf32, #tpu.memory_space<vmem>>, vector<1x1x16xf32>,
          %get3A_201 = vector.shape_cast %get3A_200 : vector<1x1x16xf32> to vector<16xf32>
          %mul3A_202 = arith.mulf %get3A_188, %abs3A_195 : vector<16xf32>
          %add3A_203 = arith.addf %mul3A_202, %get3A_201 : vector<16xf32>
          %mul3A_204 = arith.constant 9 : i32
          %mul3A_205 = arith.muli %mul3A_204, %scan3A_119 : i32
          %swap3A_206 = arith.constant 1 : i32
          %swap3A_207 = arith.index_cast %swap3A_206 : i32 to index
          %swap3A_208 = arith.index_cast %mul3A_205 : i32 to index
          %swap3A_209 = arith.constant 32 : index
          %swap3A_210 = tpu.vector_load %arg7[%swap3A_207, %swap3A_208, %swap3A_209] {strides = array<i32>} : memref<2x360x128xf32, #tpu.memory_space<vmem>>, vector<1x1x16xf32>,
          %swap3A_211 = vector.shape_cast %swap3A_210 : vector<1x1x16xf32> to vector<16xf32>
          %swap3A_212 = vector.shape_cast %add3A_203 : vector<16xf32> to vector<1x1x16xf32>
          tpu.vector_store %arg7[%swap3A_207, %swap3A_208, %swap3A_209], %swap3A_212 {strides = array<i32>} : memref<2x360x128xf32, #tpu.memory_space<vmem>>, vector<1x1x16xf32>,
          %mul3A_213 = arith.constant 9 : i32
          %mul3A_214 = arith.muli %mul3A_213, %scan3A_119 : i32
          %get3A_215 = arith.constant 1 : i32
          %get3A_216 = arith.index_cast %get3A_215 : i32 to index
          %get3A_217 = arith.index_cast %mul3A_214 : i32 to index
          %get3A_218 = arith.constant 48 : index
          %get3A_219 = tpu.vector_load %arg7[%get3A_216, %get3A_217, %get3A_218] {strides = array<i32>} : memref<2x360x128xf32, #tpu.memory_space<vmem>>, vector<1x1x16xf32>,
          %get3A_220 = vector.shape_cast %get3A_219 : vector<1x1x16xf32> to vector<16xf32>
          %get3A_221 = arith.constant 1 : i32
          %get3A_222 = arith.index_cast %get3A_221 : i32 to index
          %get3A_223 = arith.index_cast %scan3A_119 : i32 to index
          %get3A_224 = arith.constant 48 : index
          %get3A_225 = tpu.vector_load %arg9[%get3A_222, %get3A_223, %get3A_224] {strides = array<i32>} : memref<2x40x128xf32, #tpu.memory_space<vmem>>, vector<1x1x16xf32>,
          %get3A_226 = vector.shape_cast %get3A_225 : vector<1x1x16xf32> to vector<16xf32>
          %abs3A_227 = math.absf %get3A_226 : vector<16xf32>
          %get3A_228 = arith.constant 1 : i32
          %get3A_229 = arith.index_cast %get3A_228 : i32 to index
          %get3A_230 = arith.index_cast %scan3A_119 : i32 to index
          %get3A_231 = arith.constant 48 : index
          %get3A_232 = tpu.vector_load %arg10[%get3A_229, %get3A_230, %get3A_231] {strides = array<i32>} : memref<2x40x128xf32, #tpu.memory_space<vmem>>, vector<1x1x16xf32>,
          %get3A_233 = vector.shape_cast %get3A_232 : vector<1x1x16xf32> to vector<16xf32>
          %mul3A_234 = arith.mulf %get3A_220, %abs3A_227 : vector<16xf32>
          %add3A_235 = arith.addf %mul3A_234, %get3A_233 : vector<16xf32>
          %mul3A_236 = arith.constant 9 : i32
          %mul3A_237 = arith.muli %mul3A_236, %scan3A_119 : i32
          %swap3A_238 = arith.constant 1 : i32
          %swap3A_239 = arith.index_cast %swap3A_238 : i32 to index
          %swap3A_240 = arith.index_cast %mul3A_237 : i32 to index
          %swap3A_241 = arith.constant 48 : index
          %swap3A_242 = tpu.vector_load %arg7[%swap3A_239, %swap3A_240, %swap3A_241] {strides = array<i32>} : memref<2x360x128xf32, #tpu.memory_space<vmem>>, vector<1x1x16xf32>,
          %swap3A_243 = vector.shape_cast %swap3A_242 : vector<1x1x16xf32> to vector<16xf32>
          %swap3A_244 = vector.shape_cast %add3A_235 : vector<16xf32> to vector<1x1x16xf32>
          tpu.vector_store %arg7[%swap3A_239, %swap3A_240, %swap3A_241], %swap3A_244 {strides = array<i32>} : memref<2x360x128xf32, #tpu.memory_space<vmem>>, vector<1x1x16xf32>,
          %mul3A_245 = arith.constant 9 : i32
          %mul3A_246 = arith.muli %mul3A_245, %scan3A_119 : i32
          %get3A_247 = arith.constant 1 : i32
          %get3A_248 = arith.index_cast %get3A_247 : i32 to index
          %get3A_249 = arith.index_cast %mul3A_246 : i32 to index
          %get3A_250 = arith.constant 64 : index
          %get3A_251 = tpu.vector_load %arg7[%get3A_248, %get3A_249, %get3A_250] {strides = array<i32>} : memref<2x360x128xf32, #tpu.memory_space<vmem>>, vector<1x1x16xf32>,
          %get3A_252 = vector.shape_cast %get3A_251 : vector<1x1x16xf32> to vector<16xf32>
          %get3A_253 = arith.constant 1 : i32
          %get3A_254 = arith.index_cast %get3A_253 : i32 to index
          %get3A_255 = arith.index_cast %scan3A_119 : i32 to index
          %get3A_256 = arith.constant 64 : index
          %get3A_257 = tpu.vector_load %arg9[%get3A_254, %get3A_255, %get3A_256] {strides = array<i32>} : memref<2x40x128xf32, #tpu.memory_space<vmem>>, vector<1x1x16xf32>,
          %get3A_258 = vector.shape_cast %get3A_257 : vector<1x1x16xf32> to vector<16xf32>
          %abs3A_259 = math.absf %get3A_258 : vector<16xf32>
          %get3A_260 = arith.constant 1 : i32
          %get3A_261 = arith.index_cast %get3A_260 : i32 to index
          %get3A_262 = arith.index_cast %scan3A_119 : i32 to index
          %get3A_263 = arith.constant 64 : index
          %get3A_264 = tpu.vector_load %arg10[%get3A_261, %get3A_262, %get3A_263] {strides = array<i32>} : memref<2x40x128xf32, #tpu.memory_space<vmem>>, vector<1x1x16xf32>,
          %get3A_265 = vector.shape_cast %get3A_264 : vector<1x1x16xf32> to vector<16xf32>
          %mul3A_266 = arith.mulf %get3A_252, %abs3A_259 : vector<16xf32>
          %add3A_267 = arith.addf %mul3A_266, %get3A_265 : vector<16xf32>
          %mul3A_268 = arith.constant 9 : i32
          %mul3A_269 = arith.muli %mul3A_268, %scan3A_119 : i32
          %swap3A_270 = arith.constant 1 : i32
          %swap3A_271 = arith.index_cast %swap3A_270 : i32 to index
          %swap3A_272 = arith.index_cast %mul3A_269 : i32 to index
          %swap3A_273 = arith.constant 64 : index
          %swap3A_274 = tpu.vector_load %arg7[%swap3A_271, %swap3A_272, %swap3A_273] {strides = array<i32>} : memref<2x360x128xf32, #tpu.memory_space<vmem>>, vector<1x1x16xf32>,
          %swap3A_275 = vector.shape_cast %swap3A_274 : vector<1x1x16xf32> to vector<16xf32>
          %swap3A_276 = vector.shape_cast %add3A_267 : vector<16xf32> to vector<1x1x16xf32>
          tpu.vector_store %arg7[%swap3A_271, %swap3A_272, %swap3A_273], %swap3A_276 {strides = array<i32>} : memref<2x360x128xf32, #tpu.memory_space<vmem>>, vector<1x1x16xf32>,
          %mul3A_277 = arith.constant 9 : i32
          %mul3A_278 = arith.muli %mul3A_277, %scan3A_119 : i32
          %get3A_279 = arith.constant 1 : i32
          %get3A_280 = arith.index_cast %get3A_279 : i32 to index
          %get3A_281 = arith.index_cast %mul3A_278 : i32 to index
          %get3A_282 = arith.constant 80 : index
          %get3A_283 = tpu.vector_load %arg7[%get3A_280, %get3A_281, %get3A_282] {strides = array<i32>} : memref<2x360x128xf32, #tpu.memory_space<vmem>>, vector<1x1x16xf32>,
          %get3A_284 = vector.shape_cast %get3A_283 : vector<1x1x16xf32> to vector<16xf32>
          %get3A_285 = arith.constant 1 : i32
          %get3A_286 = arith.index_cast %get3A_285 : i32 to index
          %get3A_287 = arith.index_cast %scan3A_119 : i32 to index
          %get3A_288 = arith.constant 80 : index
          %get3A_289 = tpu.vector_load %arg9[%get3A_286, %get3A_287, %get3A_288] {strides = array<i32>} : memref<2x40x128xf32, #tpu.memory_space<vmem>>, vector<1x1x16xf32>,
          %get3A_290 = vector.shape_cast %get3A_289 : vector<1x1x16xf32> to vector<16xf32>
          %abs3A_291 = math.absf %get3A_290 : vector<16xf32>
          %get3A_292 = arith.constant 1 : i32
          %get3A_293 = arith.index_cast %get3A_292 : i32 to index
          %get3A_294 = arith.index_cast %scan3A_119 : i32 to index
          %get3A_295 = arith.constant 80 : index
          %get3A_296 = tpu.vector_load %arg10[%get3A_293, %get3A_294, %get3A_295] {strides = array<i32>} : memref<2x40x128xf32, #tpu.memory_space<vmem>>, vector<1x1x16xf32>,
          %get3A_297 = vector.shape_cast %get3A_296 : vector<1x1x16xf32> to vector<16xf32>
          %mul3A_298 = arith.mulf %get3A_284, %abs3A_291 : vector<16xf32>
          %add3A_299 = arith.addf %mul3A_298, %get3A_297 : vector<16xf32>
          %mul3A_300 = arith.constant 9 : i32
          %mul3A_301 = arith.muli %mul3A_300, %scan3A_119 : i32
          %swap3A_302 = arith.constant 1 : i32
          %swap3A_303 = arith.index_cast %swap3A_302 : i32 to index
          %swap3A_304 = arith.index_cast %mul3A_301 : i32 to index
          %swap3A_305 = arith.constant 80 : index
          %swap3A_306 = tpu.vector_load %arg7[%swap3A_303, %swap3A_304, %swap3A_305] {strides = array<i32>} : memref<2x360x128xf32, #tpu.memory_space<vmem>>, vector<1x1x16xf32>,
          %swap3A_307 = vector.shape_cast %swap3A_306 : vector<1x1x16xf32> to vector<16xf32>
          %swap3A_308 = vector.shape_cast %add3A_299 : vector<16xf32> to vector<1x1x16xf32>
          tpu.vector_store %arg7[%swap3A_303, %swap3A_304, %swap3A_305], %swap3A_308 {strides = array<i32>} : memref<2x360x128xf32, #tpu.memory_space<vmem>>, vector<1x1x16xf32>,
          %mul3A_309 = arith.constant 9 : i32
          %mul3A_310 = arith.muli %mul3A_309, %scan3A_119 : i32
          %get3A_311 = arith.constant 1 : i32
          %get3A_312 = arith.index_cast %get3A_311 : i32 to index
          %get3A_313 = arith.index_cast %mul3A_310 : i32 to index
          %get3A_314 = arith.constant 96 : index
          %get3A_315 = tpu.vector_load %arg7[%get3A_312, %get3A_313, %get3A_314] {strides = array<i32>} : memref<2x360x128xf32, #tpu.memory_space<vmem>>, vector<1x1x16xf32>,
          %get3A_316 = vector.shape_cast %get3A_315 : vector<1x1x16xf32> to vector<16xf32>
          %get3A_317 = arith.constant 1 : i32
          %get3A_318 = arith.index_cast %get3A_317 : i32 to index
          %get3A_319 = arith.index_cast %scan3A_119 : i32 to index
          %get3A_320 = arith.constant 96 : index
          %get3A_321 = tpu.vector_load %arg9[%get3A_318, %get3A_319, %get3A_320] {strides = array<i32>} : memref<2x40x128xf32, #tpu.memory_space<vmem>>, vector<1x1x16xf32>,
          %get3A_322 = vector.shape_cast %get3A_321 : vector<1x1x16xf32> to vector<16xf32>
          %abs3A_323 = math.absf %get3A_322 : vector<16xf32>
          %get3A_324 = arith.constant 1 : i32
          %get3A_325 = arith.index_cast %get3A_324 : i32 to index
          %get3A_326 = arith.index_cast %scan3A_119 : i32 to index
          %get3A_327 = arith.constant 96 : index
          %get3A_328 = tpu.vector_load %arg10[%get3A_325, %get3A_326, %get3A_327] {strides = array<i32>} : memref<2x40x128xf32, #tpu.memory_space<vmem>>, vector<1x1x16xf32>,
          %get3A_329 = vector.shape_cast %get3A_328 : vector<1x1x16xf32> to vector<16xf32>
          %mul3A_330 = arith.mulf %get3A_316, %abs3A_323 : vector<16xf32>
          %add3A_331 = arith.addf %mul3A_330, %get3A_329 : vector<16xf32>
          %mul3A_332 = arith.constant 9 : i32
          %mul3A_333 = arith.muli %mul3A_332, %scan3A_119 : i32
          %swap3A_334 = arith.constant 1 : i32
          %swap3A_335 = arith.index_cast %swap3A_334 : i32 to index
          %swap3A_336 = arith.index_cast %mul3A_333 : i32 to index
          %swap3A_337 = arith.constant 96 : index
          %swap3A_338 = tpu.vector_load %arg7[%swap3A_335, %swap3A_336, %swap3A_337] {strides = array<i32>} : memref<2x360x128xf32, #tpu.memory_space<vmem>>, vector<1x1x16xf32>,
          %swap3A_339 = vector.shape_cast %swap3A_338 : vector<1x1x16xf32> to vector<16xf32>
          %swap3A_340 = vector.shape_cast %add3A_331 : vector<16xf32> to vector<1x1x16xf32>
          tpu.vector_store %arg7[%swap3A_335, %swap3A_336, %swap3A_337], %swap3A_340 {strides = array<i32>} : memref<2x360x128xf32, #tpu.memory_space<vmem>>, vector<1x1x16xf32>,
          %mul3A_341 = arith.constant 9 : i32
          %mul3A_342 = arith.muli %mul3A_341, %scan3A_119 : i32
          %get3A_343 = arith.constant 1 : i32
          %get3A_344 = arith.index_cast %get3A_343 : i32 to index
          %get3A_345 = arith.index_cast %mul3A_342 : i32 to index
          %get3A_346 = arith.constant 112 : index
          %get3A_347 = tpu.vector_load %arg7[%get3A_344, %get3A_345, %get3A_346] {strides = array<i32>} : memref<2x360x128xf32, #tpu.memory_space<vmem>>, vector<1x1x16xf32>,
          %get3A_348 = vector.shape_cast %get3A_347 : vector<1x1x16xf32> to vector<16xf32>
          %get3A_349 = arith.constant 1 : i32
          %get3A_350 = arith.index_cast %get3A_349 : i32 to index
          %get3A_351 = arith.index_cast %scan3A_119 : i32 to index
          %get3A_352 = arith.constant 112 : index
          %get3A_353 = tpu.vector_load %arg9[%get3A_350, %get3A_351, %get3A_352] {strides = array<i32>} : memref<2x40x128xf32, #tpu.memory_space<vmem>>, vector<1x1x16xf32>,
          %get3A_354 = vector.shape_cast %get3A_353 : vector<1x1x16xf32> to vector<16xf32>
          %abs3A_355 = math.absf %get3A_354 : vector<16xf32>
          %get3A_356 = arith.constant 1 : i32
          %get3A_357 = arith.index_cast %get3A_356 : i32 to index
          %get3A_358 = arith.index_cast %scan3A_119 : i32 to index
          %get3A_359 = arith.constant 112 : index
          %get3A_360 = tpu.vector_load %arg10[%get3A_357, %get3A_358, %get3A_359] {strides = array<i32>} : memref<2x40x128xf32, #tpu.memory_space<vmem>>, vector<1x1x16xf32>,
          %get3A_361 = vector.shape_cast %get3A_360 : vector<1x1x16xf32> to vector<16xf32>
          %mul3A_362 = arith.mulf %get3A_348, %abs3A_355 : vector<16xf32>
          %add3A_363 = arith.addf %mul3A_362, %get3A_361 : vector<16xf32>
          %mul3A_364 = arith.constant 9 : i32
          %mul3A_365 = arith.muli %mul3A_364, %scan3A_119 : i32
          %swap3A_366 = arith.constant 1 : i32
          %swap3A_367 = arith.index_cast %swap3A_366 : i32 to index
          %swap3A_368 = arith.index_cast %mul3A_365 : i32 to index
          %swap3A_369 = arith.constant 112 : index
          %swap3A_370 = tpu.vector_load %arg7[%swap3A_367, %swap3A_368, %swap3A_369] {strides = array<i32>} : memref<2x360x128xf32, #tpu.memory_space<vmem>>, vector<1x1x16xf32>,
          %swap3A_371 = vector.shape_cast %swap3A_370 : vector<1x1x16xf32> to vector<16xf32>
          %swap3A_372 = vector.shape_cast %add3A_363 : vector<16xf32> to vector<1x1x16xf32>
          tpu.vector_store %arg7[%swap3A_367, %swap3A_368, %swap3A_369], %swap3A_372 {strides = array<i32>} : memref<2x360x128xf32, #tpu.memory_space<vmem>>, vector<1x1x16xf32>,
        }
        %scan3A_104 = arith.constant 40 : i32
        %mul3A_105 = arith.constant 360 : i32
        %mul3A_106 = arith.muli %add3A_48, %mul3A_105 : i32
        %dma_start3A = arith.constant 1 : i32
        %dma_start3A_107 = arith.constant 0 : i32
        %dma_start3A_108 = arith.constant 0 : i32
        %dma_start3A_109 = tpu.memref_slice %arg7[%dma_start3A, %dma_start3A_107, %dma_start3A_108] : memref<2x360x128xf32, #tpu.memory_space<vmem>> -> memref<1x360x128xf32, #tpu.memory_space<vmem>>
        %dma_start3A_110 = tpu.memref_squeeze %dma_start3A_109 : memref<1x360x128xf32, #tpu.memory_space<vmem>> -> memref<360x128xf32, #tpu.memory_space<vmem>>
        %dma_start3A_111 = arith.constant 0 : i32
        %dma_start3A_112 = tpu.memref_slice %arg6[%mul3A_106, %dma_start3A_111] : memref<900000x128xf32, #tpu.memory_space<hbm>> -> memref<360x128xf32, #tpu.memory_space<hbm>>
        %dma_start3A_113 = arith.constant 0 : i32
        %dma_start3A_114 = tpu.memref_slice %arg6[%mul3A_106, %dma_start3A_113] : memref<900000x128xf32, #tpu.memory_space<hbm>> -> memref<360x128xf32, #tpu.memory_space<hbm>>
        %dma_start3A_115 = arith.constant 0 : i32
        %dma_start3A_116 = arith.constant 0 : i32
        %dma_start3A_117 = tpu.memref_slice %arg7[%dma_start3A, %dma_start3A_115, %dma_start3A_116] : memref<2x360x128xf32, #tpu.memory_space<vmem>> -> memref<1x360x128xf32, #tpu.memory_space<vmem>>
        %dma_start3A_118 = tpu.memref_squeeze %dma_start3A_117 : memref<1x360x128xf32, #tpu.memory_space<vmem>> -> memref<360x128xf32, #tpu.memory_space<vmem>>
        tpu.enqueue_dma source(%dma_start3A_118 : memref<360x128xf32, #tpu.memory_space<vmem>>) target(%dma_start3A_114 : memref<360x128xf32, #tpu.memory_space<hbm>>) target_semaphore(%arg20 : memref<!tpu.dma_semaphore, #tpu.memory_space<semaphore_mem>>)
      } else {
      }
    }
    %scan3A_11 = arith.constant 40 : i32
    return
  }
}

</mosaic_0001>

<sc_bundles>
// kernel: kernel.3.cloned.1.call-start
scs
__scs_entry_jumppad:
0x0: {  	(pc) =	sbr.rel $0x88, $3  }
0x1: {  	(tag) =	ssettag $0x0;
	lr =	simm.s32 $0x1  }
0x2: {  	[smem:$0x3F9D] =	sst lr;
	_ =	strace $0xD0000000  }
0x3: {  	_ = 	snop  }
0x4: {  	_ = 	snop  }
0x5: {  	_ = 	snop  }
0x6: {  	_ = 	snop  }
0x7: {  	_ = 	snop  }
__scs_overlays_trampoline_lowered:
0x8: {  	[smem:$0x3FAC] =	sst s0  }
0x9: {  	[smem:$0x3FAD] =	sst s1  }
0xa: {  	[smem:$0x3FAE] =	sst s2  }
0xb: {  	[smem:$0x3FAF] =	sst s3  }
0xc: {  	[smem:$0x3FB0] =	sst s4  }
0xd: {  	[smem:$0x3FB1] =	sst s5  }
0xe: {  	[smem:$0x3FB2] =	sst s6  }
0xf: {  	[smem:$0x3FB3] =	sst s7  }
0x10: {  	[smem:$0x3FB4] =	sst s8  }
0x11: {  	[smem:$0x3FB5] =	sst s9;
	s0 =	simm.s32 @!p0 $0x0  }
0x12: {  	s1 =	sld [smem:$0x3F9B];
	s0 =	simm.s32 @p0 $0x1  }
0x13: {  	[smem:$0x3FB6] =	sst s0;
	s0 =	simm.s32 @!p1 $0x0  }
0x14: {  	s2 =	sld [smem:$0x3F9A];
	s0 =	simm.s32 @p1 $0x1  }
0x15: {  	[smem:$0x3FB7] =	sst s0;
	s0 =	simm.s32 @!p2 $0x0  }
0x16: {  	s3 =	sld [smem:$0x3FDB];
	s0 =	simm.s32 @p2 $0x1  }
0x17: {  	s4 =	simm.s32 $0x1BF5;
	[smem:$0x3FB9] =	sst s0  }
0x18: {  	s0 =	sld [smem:$0x3F9C];
	_ =	swait.ge [sflag:s4], $0x0  }
0x19: {  	s7 =	sld [smem:$0x3F9D]  }
0x1a: {  	s8 =	sadd.s32 $0xFFFFE003, lr  }
0x1b: {  	s9 =	sadd.s32 $0xFFFFFEF7, lr;
	s5 =	simm.s32 $0xFFFFFFFF;
	p2 =	slt.u32 s8, $0xFFFFF086  }
0x1c: {  	p1 =	slt.u32 s9, $0xF7A;
	s5 =	simm.s32 @!p2 $0x0  }
0x1d: {  	s5 =	simm.s32 @p1 $0x1;
	p0 =	seq.s32 s7, s2  }
0x1e: {  	s7 =	smul.u32 @!p0 $0xF7A, s2;
	p2 =	seq.s32 @!p0 s5, $0x0  }
0x1f: {  	s9 =	smul.u32 $0xF7A, s1;
	s8 =	simm.s32 @!p0 $0x1BF5;
	p2 =	por !p2, p0  }
0x20: {  	[sflag:s8] =	ssyncset.s32 @!p0 $0xFFFFF086;
	s6 =	sadd.s32 @!p0 s3, s7;
	s7 =	simm.s32 @!p0 $0x108  }
0x21: {  	s3 =	sadd.s32 s3, s9;
	s6 =	sadd.s32 @!p0 $0x88, s6;
	s7 =	simm.s32 @p2 $0x1082  }
0x22: {  	[simem:s7], [sflag:s8] =	dma.local @!p0 [hbm:s6], $0xF7A  }
0x23: {  	s9 =	sor.u32 $0xD0000000, s2;
	s6 =	simm.s32 $0x108;
	_ =	swait.ge @!p0 [sflag:s8], $0x0  }
0x24: {  	s3 =	sadd.s32 $0x88, s3;
	s6 =	simm.s32 @!p1 $0x1082;
	[sflag:s4] =	ssyncset.s32 $0xFFFFF086  }
0x25: {  	[simem:s6], [sflag:s4] =	dma.local [hbm:s3], $0xF7A  }
0x26: {  	[smem:$0x3F9D] =	sst s1;
	(tag) =	ssettag s2;
	_ =	strace s9  }
0x27: {  	s1 =	sld [smem:$0x3FAD]  }
0x28: {  	s2 =	sld [smem:$0x3FAE]  }
0x29: {  	s4 =	sld [smem:$0x3FB0]  }
0x2a: {  	p0 =	seq.s32 s5, $0x0;
	s5 =	sld [smem:$0x3FB1]  }
0x2b: {  	s6 =	sld [smem:$0x3FB2]  }
0x2c: {  	s7 =	sld [smem:$0x3FB3]  }
0x2d: {  	s3 =	simm.s32 $0x108;
	s8 =	sld [smem:$0x3FB4]  }
0x2e: {  	s3 =	simm.s32 @!p0 $0x1082;
	s9 =	sld [smem:$0x3FB5]  }
0x2f: {  	lr =	sadd.s32 s0, s3;
	s0 =	sld [smem:$0x3FAC]  }
0x30: {  	s3 =	sld [smem:$0x3FAF]  }
0x31: {  	[smem:$0x3FB8] =	sst s10  }
0x32: {  	s10 =	sld [smem:$0x3FB6];
	_ =	sdelay $0x3  }
0x33: {  	p0 =	seq.s32 s10, $0x1;
	s10 =	sld [smem:$0x3FB8];
	_ =	sdelay $0x3  }
0x34: {  	[smem:$0x3FB8] =	sst s10  }
0x35: {  	s10 =	sld [smem:$0x3FB7];
	_ =	sdelay $0x3  }
0x36: {  	p1 =	seq.s32 s10, $0x1;
	s10 =	sld [smem:$0x3FB8];
	_ =	sdelay $0x3  }
0x37: {  	[smem:$0x3FB8] =	sst s10  }
0x38: {  	s10 =	sld [smem:$0x3FB9]  }
0x39: {  	_ = 	snop;
	(pc) =	sbr.ind lr, $3  }
0x3a: {  	_ = 	snop  }
0x3b: {  	_ = 	snop  }
0x3c: {  	p2 =	seq.s32 s10, $0x1;
	s10 =	sld [smem:$0x3FB8]  }
0x3d: {  	_ =	shalt  }
0x3e: {  	_ =	shalt  }
0x3f: {  	_ =	shalt  }
0x40: {  	_ =	shalt  }
0x41: {  	_ =	shalt  }
0x42: {  	_ =	shalt  }
0x43: {  	_ =	shalt  }
0x44: {  	_ =	shalt  }
0x45: {  	_ =	shalt  }
0x46: {  	_ =	shalt  }
0x47: {  	_ =	shalt  }
0x48: {  	_ =	shalt  }
0x49: {  	_ =	shalt  }
0x4a: {  	_ =	shalt  }
0x4b: {  	_ =	shalt  }
0x4c: {  	_ =	shalt  }
0x4d: {  	_ =	shalt  }
0x4e: {  	_ =	shalt  }
0x4f: {  	_ =	shalt  }
0x50: {  	_ =	shalt  }
0x51: {  	_ =	shalt  }
0x52: {  	_ =	shalt  }
0x53: {  	_ =	shalt  }
0x54: {  	_ =	shalt  }
0x55: {  	_ =	shalt  }
0x56: {  	_ =	shalt  }
0x57: {  	_ =	shalt  }
0x58: {  	_ =	shalt  }
0x59: {  	_ =	shalt  }
0x5a: {  	_ =	shalt  }
0x5b: {  	_ =	shalt  }
0x5c: {  	_ =	shalt  }
0x5d: {  	_ =	shalt  }
0x5e: {  	_ =	shalt  }
0x5f: {  	_ =	shalt  }
0x60: {  	_ =	shalt  }
0x61: {  	_ =	shalt  }
0x62: {  	_ =	shalt  }
0x63: {  	_ =	shalt  }
0x64: {  	_ =	shalt  }
0x65: {  	_ =	shalt  }
0x66: {  	_ =	shalt  }
0x67: {  	_ =	shalt  }
0x68: {  	_ =	shalt  }
0x69: {  	_ =	shalt  }
0x6a: {  	_ =	shalt  }
0x6b: {  	_ =	shalt  }
0x6c: {  	_ =	shalt  }
0x6d: {  	_ =	shalt  }
0x6e: {  	_ =	shalt  }
0x6f: {  	_ =	shalt  }
0x70: {  	_ =	shalt  }
0x71: {  	_ =	shalt  }
0x72: {  	_ =	shalt  }
0x73: {  	_ =	shalt  }
0x74: {  	_ =	shalt  }
0x75: {  	_ =	shalt  }
0x76: {  	_ =	shalt  }
0x77: {  	_ =	shalt  }
0x78: {  	_ =	shalt  }
0x79: {  	_ =	shalt  }
0x7a: {  	_ =	shalt  }
0x7b: {  	_ =	shalt  }
0x7c: {  	_ =	shalt  }
0x7d: {  	_ =	shalt  }
0x7e: {  	_ =	shalt  }
0x7f: {  	_ =	shalt  }
0x80: {  	_ =	shalt  }
0x81: {  	_ =	shalt  }
0x82: {  	_ =	shalt  }
0x83: {  	_ =	shalt  }
0x84: {  	_ =	shalt  }
0x85: {  	_ =	shalt  }
0x86: {  	_ =	shalt  }
0x87: {  	_ =	shalt  }
.Lfunc_end0:
.L_simem_size_0:
called_computation_lowered:
.L_overlay_start_0:
0x88: {  	s2 =	sld [smem:$0x3FD9]  }
0x89: {  	s3 =	sld [smem:$0x3FFE];
	_ =	sdelay $0x1  }
0x8a: {  	s1 =	srdreg.scid  }
0x8b: {  	s0 =	sand.u32 $0x1, s1  }
0x8c: {  	s18 =	sshll.u32 s0, $0xA;
	s2 =	sadd.s32 s3, s2  }
0x8d: {  	s2 =	sadd.s32 s2, s18  }
0x8e: {  	[smem:$0x3FC4] =	sst s2  }
0x8f: {  	_ = 	snop  }
0x90: {  	s2 =	sld [smem:$0x3FC9]  }
0x91: {  	s19 =	sld [smem:$0x3FC8]  }
0x92: {  	s4 =	sld [smem:$0x3FC7]  }
0x93: {  	s5 =	sld [smem:$0x3FC6]  }
0x94: {  	s6 =	sld [smem:$0x3FD0];
	(tm) =	ssettm $0x1  }
0x95: {  	s7 =	sld [smem:$0x3FFB];
	_ =	sdelay $0x3  }
0x96: {  	_ =	strace s7  }
0x97: {  	s7 =	sld [smem:$0x3FFC];
	_ =	sdelay $0x3  }
0x98: {  	_ =	strace s7  }
0x99: {  	s7 =	sld [smem:$0x3FFD];
	_ =	sdelay $0x3  }
0x9a: {  	_ =	strace s7  }
0x9b: {  	_ =	strace $0x8FFFFFFF  }
0x9c: {  	s20 =	sld [smem:$0x3FDB];
	_ =	sdelay $0x1  }
0x9d: {  	s8 =	simm.s32 $_scs_section_size  }
0x9e: {  	s9 =	simm.s32 $_size__tile_overlayer_lowered;
	s10 =	simm.s32 $_tile_overlayer_lowered  }
0x9f: {  	s23 =	simm.s32 $0x1BFF;
	s22 =	sshll.u32 s10, $0x1;
	s7 =	sadd.s32 s8, s20  }
0xa0: {  	s11 =	simm.s32 $0x0;
	s21 =	sshll.u32 s9, $0x1;
	s9 =	sadd.s32 s22, s7  }
0xa1: {  	[timem:s11], [sflag:s23] =	dma.local [hbm:s9], s21  }
0xa2: {  	_ =	swait.ge [sflag:s23], s21  }
0xa3: {  	s8 =	ssub.s32 $0x0, s21;
	[sflag:s23] =	ssyncset.done $0x0  }
0xa4: {  	[sflag:s23] =	ssyncadd.s32 s8;
	_ =	sdelay $0x1  }
0xa5: {  	s24 =	simm.s32 $0x1B8B  }
0xa6: {  	_ =	swait.ge [sflag:s24], $0x1  }
0xa7: {  	[sflag:s24] =	ssyncset.done $0x0  }
0xa8: {  	s25 =	simm.s32 $0x1B8E;
	[sflag:s24] =	ssyncadd.s32 $0xFFFFFFFF  }
0xa9: {  	s26 =	simm.s32 $execute0_lowered;
	[smem:$0x3FD2] =	sst s25  }
0xaa: {  	s8 =	sshll.u32 s26, $0x1;
	_ =	strace $0x80000046;
	[dreg:$0x1] =	wrdreg $0xFFFFFFFF  }
0xab: {  	s28 =	simm.s32 $_size_execute0_lowered;
	s7 =	sadd.s32 s7, s8;
	[dreg:$0x0] =	wrdreg $0x0  }
0xac: {  	s8 =	sshll.u32 s28, $0x1;
	[dreg:$0x2] =	wrdreg s7  }
0xad: {  	[dreg:$0x3] =	wrdreg s8  }
0xae: {  	[dreg:$0x4] =	wrdreg $0xC0  }
0xaf: {  	_ =	task [dreg:s11], $0x5FFFF  }
0xb0: {  	[dreg:$0x1] =	wrdreg $0xFFFFFFFF  }
0xb1: {  	[dreg:$0x0] =	wrdreg $0x60  }
0xb2: {  	[dreg:$0x2] =	wrdreg s2  }
0xb3: {  	[dreg:$0x3] =	wrdreg s19  }
0xb4: {  	[dreg:$0x4] =	wrdreg s4  }
0xb5: {  	[dreg:$0x5] =	wrdreg s5  }
0xb6: {  	[dreg:$0x6] =	wrdreg s6  }
0xb7: {  	[dreg:$0x7] =	wrdreg $0x1B9000  }
0xb8: {  	[dreg:$0x8] =	wrdreg $0x1BC200  }
0xb9: {  	[dreg:$0x9] =	wrdreg $0x9  }
0xba: {  	_ =	task.clear_ibuf [dreg:s11], $0xAFFFF;
	_ =	strace $0x90000046  }
0xbb: {  	s29 =	simm.s32 $0x9;
	_ =	strace $0x80000048  }
0xbc: {  	_ =	swait.ge [sflag:s29], $0x1  }
0xbd: {  	[sflag:s29] =	ssyncadd.s32 $0xFFFFFFFF  }
0xbe: {  	_ =	strace $0x90000048  }
0xbf: {  	_ =	sfence  }
0xc0: {  	s30 =	sld [smem:$0x0];
	_ =	sdelay $0x2  }
0xc1: {  	s31 =	sshll.u32 s1, $0xD;
	s1 =	sshrl.u32 s1, $0x2  }
0xc2: {  	s3 =	sand.u32 $0x4000, s31;
	s1 =	sadd.s32 s1, s30  }
0xc3: {  	s0 =	sor.u32 s3, s0;
	s1 =	sshll.u32 s1, $0x11  }
0xc4: {  	s0 =	sor.u32 s1, s0  }
0xc5: {  	s0 =	sadd.s32 $0x8F2B, s0  }
0xc6: {  	[sflag:s0] =	ssyncadd.remote.s32 $0x1  }
0xc7: {  	_ =	sfence.sel $0xFFFF  }
0xc8: {  	[dreg:$0x0] =	wrdreg $0xFFFFFFFF;
	(pc) =	sbr.abs _section_cstart, $3  }
0xc9: {  	[dreg:$0x1] =	wrdreg $0xFFFFFFFF  }
0xca: {  	_ =	task.clear_ibuf [dreg:s11], $0x2FFFF;
	_ =	strace $0x9FFFFFFF  }
0xcb: {  	(tm) =	ssettm $0x7FFFFFFF  }
tec
execute0_lowered:
.L_overlay_start_1:
0x0: {  	(tag) =	ssettag $0x1  }
0x1: {  	s0 =	rddreg [dreg:$0x0]  }
0x2: {  	s1 =	rddreg [dreg:$0x1]  }
0x3: {  	s2 =	rddreg [dreg:$0x2]  }
0x4: {  	s3 =	rddreg [dreg:$0x3]  }
0x5: {  	s4 =	rddreg [dreg:$0x4]  }
0x6: {  	s5 =	rddreg [dreg:$0x5];
	s6 =	srdreg.scid  }
0x7: {  	s12 =	stileid.u32;
	s7 =	rddreg [dreg:$0x6];
	s9 =	simm.s32 $0x0  }
0x8: {  	s15 =	simm.s32 $0x16800;
	s10 =	sand.u32 $0x1, s6;
	s8 =	sshll.u32 s12, $0x1  }
0x9: {  	s16 =	simm.s32 $0x5;
	s17 =	simm.s32 $0x7;
	s8 =	sor.u32 s10, s8  }
0xa: {  	s18 =	simm.s32 $0x6;
	s19 =	simm.s32 $0xB400;
	s11 =	smul.u32 $0x1680, s8  }
.Ltmp0:
0xb: {  	s20 =	simm.s32 $0x0;
	s6 =	rddreg [dreg:$0x7];
	(pc) =	sbr.rel .LBB2_1-.Ltmp0, $4  }
0xc: {  	[smem:$0x7FF] =	sst s9;
	s10 =	ssub.s32 $0x2, s10;
	s14 =	smul.u32 $0x5, s8  }
0xd: {  	p0 =	sne.s32 s12, $0x0;
	_ =	strace $0x80000047;
	s13 =	sshrl.u32 s10, $0x1  }
0xe: {  	s13 =	ssub.s32 s10, s13;
	s10 =	sadd.s32 s0, s11;
	s11 =	sadd.s32 s1, s14  }
0xf: {  	s12 =	smax.u32 s13, $0x1;
	s13 =	sshrl.u32 @!p0 s5, $0x3;
	s14 =	sshrl.u32 @!p0 s7, $0x3  }
.LBB2_12:
0x10: {  	s20 =	sadd.s32 $0x1, s20  }
0x11: {  	p1 =	sne.s32 s20, s12  }
.Ltmp1:
0x12: {  	_ = 	snop;
	(pc) =	sbr.rel @!p1 .LBB2_13-.Ltmp1, $1  }
0x13: {  	_ =	sdelay $0x3  }
.LBB2_1:
0x14: {  	s21 =	simm.s32 @!p0 $0x1C09;
	s22 =	simm.s32 @!p0 $0x9  }
0x15: {  	[spmem:s13], [sflag:s21] =	dma.local @!p0 [hbm:s3], $0x640  }
0x16: {  	_ =	swait.ge @!p0 [sflag:s22], $0x640  }
0x17: {  	[sflag:s22] =	ssyncset.done @!p0 $0x0  }
0x18: {  	[sflag:s22] =	ssyncadd.s32 @!p0 $0xFFFFF9C0  }
0x19: {  	[spmem:s14], [sflag:s21] =	dma.local @!p0 [hbm:s2], $0x640  }
0x1a: {  	_ =	swait.ge @!p0 [sflag:s22], $0x640  }
0x1b: {  	[sflag:s22] =	ssyncset.done @!p0 $0x0  }
.Ltmp2:
0x1c: {  	[sflag:s22] =	ssyncadd.s32 @!p0 $0xFFFFF9C0;
	(pc) =	sbr.rel .LBB2_2-.Ltmp2, $4  }
0x1d: {  	[bflag:$0x0] =	sbarrier.arrive $0xFFFF  }
0x1e: {  	[tilespmem:s9], [sflag:$0x1] =	stream.linear.gather [hbm4b:s10+s9], $0xB400, $0x38;
	[tilespmem:$0x1BF40] =	vst v63  }
0x1f: {  	s21 =	simm.s32 $0x0  }
0x20: {  	[tilespmem:s15], [sflag:$0x3] =	stream.linear.gather [hbm4b:s11+s9], $0x28, $0x38;
	[tilespmem:$0x1BF40] =	vst v63  }
.LBB2_11:
0x21: {  	s21 =	sadd.s32 $0x1, s21  }
0x22: {  	p1 =	sne.s32 s21, $0x28  }
.Ltmp3:
0x23: {  	_ = 	snop;
	(pc) =	sbr.rel @!p1 .LBB2_12-.Ltmp3, $1  }
0x24: {  	_ =	sdelay $0x3  }
.LBB2_2:
0x25: {  	s22 =	sshll.u32 s21, $0x6  }
0x26: {  	s23 =	sor.u32 s8, s22  }
0x27: {  	p2 =	sgt.u32 s23, $0x9C3  }
0x28: {  	s22 =	simm.s32 @!p2 $0x3  }
0x29: {  	_ =	swait.ge @!p2 [sflag:s22], $0x28  }
0x2a: {  	s24 =	simm.s32 @!p2 $0x16800;
	[sflag:s22] =	ssyncset.done @!p2 $0x0  }
0x2b: {  	s25 =	simm.s32 @!p2 $0x16900;
	[sflag:s22] =	ssyncadd.s32 @!p2 $0xFFFFFFD8;
	s22 =	simm.s32 @!p2 $0x28  }
0x2c: {  	[tilespmem:s25], [sflag:$0x5] =	stream.indirect.gather @!p2 [spmem:s5], $0x80, s24, s22, $0xb8;
	[tilespmem:$0x1BF40] =	vst v63  }
0x2d: {  	s25 =	simm.s32 @!p2 $0x19100  }
0x2e: {  	[tilespmem:s25], [sflag:$0x5] =	stream.indirect.gather @!p2 [spmem:s7], $0x80, s24, s22, $0xb8;
	[tilespmem:$0x1BF40] =	vst v63  }
0x2f: {  	s24 =	simm.s32 @!p2 $0x1  }
0x30: {  	s31 =	sadd.s32 $0xFFFFFFE0, s23;
	s22 =	sor.u32 $0x20, s23;
	_ =	swait.ge @!p2 [sflag:s24], $0xB400  }
0x31: {  	p3 =	sgt.u32 s31, $0x9C3;
	p1 =	sgt.u32 s22, $0x9C3;
	[sflag:s24] =	ssyncset.done @!p2 $0x0  }
0x32: {  	s25 =	smul.u32 @!p1 $0x1680, s22;
	[sflag:s24] =	ssyncadd.s32 @!p2 $0xFFFF4C00;
	s24 =	simm.s32 @!p3 $0x8  }
0x33: {  	s28 =	smul.u32 @!p1 $0x5, s22;
	_ =	swait.ge @!p3 [sflag:s24], $0xB400  }
.Ltmp4:
0x34: {  	s26 =	simm.s32 @!p1 $0xB400;
	[sflag:s24] =	ssyncset.done @!p3 $0x0;
	(pc) =	sbr.rel @p2 .LBB2_11-.Ltmp4, $4  }
0x35: {  	[sflag:s24] =	ssyncadd.s32 @!p3 $0xFFFF4C00;
	s24 =	sadd.s32 @!p1 s0, s25;
	s25 =	simm.s32 @!p1 $0x0  }
0x36: {  	[tilespmem:s26], [sflag:$0x2] =	stream.linear.gather @!p1 [hbm4b:s24+s25], $0xB400, $0x38;
	[tilespmem:$0x1BF40] =	vst v63  }
0x37: {  	s24 =	sadd.s32 @!p1 s1, s28;
	s26 =	simm.s32 @!p1 $0x16880  }
0x38: {  	[tilespmem:s26], [sflag:$0x4] =	stream.linear.gather @!p1 [hbm4b:s24+s25], $0x28, $0x38;
	[tilespmem:$0x1BF40] =	vst v63  }
0x39: {  	_ =	swait.ge [sflag:s16], $0x1400  }
0x3a: {  	[sflag:s16] =	ssyncset.done $0x0  }
0x3b: {  	[sflag:s16] =	ssyncadd.s32 $0xFFFFEC00  }
0x3c: {  	_ =	swait.ge [sflag:s16], $0x1400  }
0x3d: {  	[sflag:s16] =	ssyncset.done $0x0  }
0x3e: {  	s25 =	simm.s32 $0x0;
	[sflag:s16] =	ssyncadd.s32 $0xFFFFEC00  }
0x3f: {  	s24 =	simm.s32 $0x40;
	v0 =	vld [tilespmem:s25+$0x16900]  }
0x40: {  	v1 =	vld [tilespmem:s24+$0xFFFFFFC0];
	_ =	sdelay $0x1  }
0x41: {  	v2 =	vld [tilespmem:s25+$0x19100];
	_ =	sdelay $0x1  }
0x42: {  	v0 =	vand.u32 $0x7FFFFFFF, v0  }
0x43: {  	v0 =	vmul.f32 v0, v1;
	_ =	sdelay $0x1  }
0x44: {  	v0 =	vadd.f32 v0, v2;
	_ =	sdelay $0x1  }
0x45: {  	[tilespmem:s24+$0xFFFFFFC0] =	vst v0  }
0x46: {  	v0 =	vld [tilespmem:s25+$0x16910]  }
0x47: {  	v1 =	vld [tilespmem:s24+$0xFFFFFFD0];
	_ =	sdelay $0x1  }
0x48: {  	v2 =	vld [tilespmem:s25+$0x19110];
	_ =	sdelay $0x1  }
0x49: {  	v0 =	vand.u32 $0x7FFFFFFF, v0  }
0x4a: {  	v0 =	vmul.f32 v0, v1;
	_ =	sdelay $0x1  }
0x4b: {  	v0 =	vadd.f32 v0, v2;
	_ =	sdelay $0x1  }
0x4c: {  	[tilespmem:s24+$0xFFFFFFD0] =	vst v0  }
0x4d: {  	v0 =	vld [tilespmem:s25+$0x16920]  }
0x4e: {  	v1 =	vld [tilespmem:s24+$0xFFFFFFE0];
	_ =	sdelay $0x1  }
0x4f: {  	v2 =	vld [tilespmem:s25+$0x19120];
	_ =	sdelay $0x1  }
0x50: {  	v0 =	vand.u32 $0x7FFFFFFF, v0  }
0x51: {  	v0 =	vmul.f32 v0, v1;
	_ =	sdelay $0x1  }
0x52: {  	v0 =	vadd.f32 v0, v2;
	_ =	sdelay $0x1  }
0x53: {  	[tilespmem:s24+$0xFFFFFFE0] =	vst v0  }
0x54: {  	v0 =	vld [tilespmem:s25+$0x16930]  }
0x55: {  	v1 =	vld [tilespmem:s24+$0xFFFFFFF0];
	_ =	sdelay $0x1  }
0x56: {  	v2 =	vld [tilespmem:s25+$0x19130];
	_ =	sdelay $0x1  }
0x57: {  	v0 =	vand.u32 $0x7FFFFFFF, v0  }
0x58: {  	v0 =	vmul.f32 v0, v1;
	_ =	sdelay $0x1  }
0x59: {  	v0 =	vadd.f32 v0, v2;
	_ =	sdelay $0x1  }
0x5a: {  	[tilespmem:s24+$0xFFFFFFF0] =	vst v0  }
0x5b: {  	v0 =	vld [tilespmem:s25+$0x16940]  }
0x5c: {  	v1 =	vld [tilespmem:s24+$0x0];
	_ =	sdelay $0x1  }
0x5d: {  	v2 =	vld [tilespmem:s25+$0x19140];
	_ =	sdelay $0x1  }
0x5e: {  	v0 =	vand.u32 $0x7FFFFFFF, v0  }
0x5f: {  	v0 =	vmul.f32 v0, v1;
	_ =	sdelay $0x1  }
0x60: {  	v0 =	vadd.f32 v0, v2;
	_ =	sdelay $0x1  }
0x61: {  	[tilespmem:s24+$0x0] =	vst v0  }
0x62: {  	v0 =	vld [tilespmem:s25+$0x16950]  }
0x63: {  	v1 =	vld [tilespmem:s24+$0x10];
	_ =	sdelay $0x1  }
0x64: {  	v2 =	vld [tilespmem:s25+$0x19150];
	_ =	sdelay $0x1  }
0x65: {  	v0 =	vand.u32 $0x7FFFFFFF, v0  }
0x66: {  	v0 =	vmul.f32 v0, v1;
	_ =	sdelay $0x1  }
0x67: {  	v0 =	vadd.f32 v0, v2;
	_ =	sdelay $0x1  }
0x68: {  	[tilespmem:s24+$0x10] =	vst v0  }
0x69: {  	v0 =	vld [tilespmem:s25+$0x16960]  }
0x6a: {  	v1 =	vld [tilespmem:s24+$0x20];
	_ =	sdelay $0x1  }
0x6b: {  	v2 =	vld [tilespmem:s25+$0x19160];
	_ =	sdelay $0x1  }
0x6c: {  	v0 =	vand.u32 $0x7FFFFFFF, v0  }
0x6d: {  	v0 =	vmul.f32 v0, v1;
	_ =	sdelay $0x1  }
0x6e: {  	v0 =	vadd.f32 v0, v2;
	_ =	sdelay $0x1  }
0x6f: {  	[tilespmem:s24+$0x20] =	vst v0  }
0x70: {  	v0 =	vld [tilespmem:s25+$0x16970]  }
0x71: {  	v1 =	vld [tilespmem:s24+$0x30];
	_ =	sdelay $0x1  }
0x72: {  	v2 =	vld [tilespmem:s25+$0x19170];
	_ =	sdelay $0x1  }
0x73: {  	v0 =	vand.u32 $0x7FFFFFFF, v0  }
0x74: {  	v0 =	vmul.f32 v0, v1;
	_ =	sdelay $0x1  }
0x75: {  	s29 =	simm.s32 $0x400;
	s25 =	simm.s32 $0x200;
	v0 =	vadd.f32 v0, v2  }
.LBB2_4:
0x76: {  	s28 =	sshra.s32 s25, $0x2  }
0x77: {  	s25 =	smov.u32 s29;
	s26 =	sadd.s32 $0x200, s29;
	[tilespmem:s24+$0x30] =	vst v0;
	s24 =	sadd.s32 $0x480, s24  }
0x78: {  	p2 =	sne.s32 s29, $0x4E00;
	v0 =	vld [tilespmem:s28+$0x16900]  }
0x79: {  	v1 =	vld [tilespmem:s24+$0xFFFFFFC0];
	_ =	sdelay $0x1  }
0x7a: {  	v2 =	vld [tilespmem:s28+$0x19100];
	_ =	sdelay $0x1  }
0x7b: {  	v0 =	vand.u32 $0x7FFFFFFF, v0  }
0x7c: {  	v0 =	vmul.f32 v0, v1;
	_ =	sdelay $0x1  }
0x7d: {  	v0 =	vadd.f32 v0, v2;
	_ =	sdelay $0x1  }
0x7e: {  	[tilespmem:s24+$0xFFFFFFC0] =	vst v0  }
0x7f: {  	v0 =	vld [tilespmem:s28+$0x16910]  }
0x80: {  	v1 =	vld [tilespmem:s24+$0xFFFFFFD0];
	_ =	sdelay $0x1  }
0x81: {  	v2 =	vld [tilespmem:s28+$0x19110];
	_ =	sdelay $0x1  }
0x82: {  	v0 =	vand.u32 $0x7FFFFFFF, v0  }
0x83: {  	v0 =	vmul.f32 v0, v1;
	_ =	sdelay $0x1  }
0x84: {  	v0 =	vadd.f32 v0, v2;
	_ =	sdelay $0x1  }
0x85: {  	[tilespmem:s24+$0xFFFFFFD0] =	vst v0  }
0x86: {  	v0 =	vld [tilespmem:s28+$0x16920]  }
0x87: {  	v1 =	vld [tilespmem:s24+$0xFFFFFFE0];
	_ =	sdelay $0x1  }
0x88: {  	v2 =	vld [tilespmem:s28+$0x19120];
	_ =	sdelay $0x1  }
0x89: {  	v0 =	vand.u32 $0x7FFFFFFF, v0  }
0x8a: {  	v0 =	vmul.f32 v0, v1;
	_ =	sdelay $0x1  }
0x8b: {  	v0 =	vadd.f32 v0, v2;
	_ =	sdelay $0x1  }
0x8c: {  	[tilespmem:s24+$0xFFFFFFE0] =	vst v0  }
0x8d: {  	v0 =	vld [tilespmem:s28+$0x16930]  }
0x8e: {  	v1 =	vld [tilespmem:s24+$0xFFFFFFF0];
	_ =	sdelay $0x1  }
0x8f: {  	v2 =	vld [tilespmem:s28+$0x19130];
	_ =	sdelay $0x1  }
0x90: {  	v0 =	vand.u32 $0x7FFFFFFF, v0  }
0x91: {  	v0 =	vmul.f32 v0, v1;
	_ =	sdelay $0x1  }
0x92: {  	v0 =	vadd.f32 v0, v2;
	_ =	sdelay $0x1  }
0x93: {  	[tilespmem:s24+$0xFFFFFFF0] =	vst v0  }
0x94: {  	v0 =	vld [tilespmem:s28+$0x16940]  }
0x95: {  	v1 =	vld [tilespmem:s24+$0x0];
	_ =	sdelay $0x1  }
0x96: {  	v2 =	vld [tilespmem:s28+$0x19140];
	_ =	sdelay $0x1  }
0x97: {  	v0 =	vand.u32 $0x7FFFFFFF, v0  }
0x98: {  	v0 =	vmul.f32 v0, v1;
	_ =	sdelay $0x1  }
0x99: {  	v0 =	vadd.f32 v0, v2;
	_ =	sdelay $0x1  }
0x9a: {  	[tilespmem:s24+$0x0] =	vst v0;
	v0 =	vld [tilespmem:s24+$0x10]  }
0x9b: {  	v1 =	vld [tilespmem:s28+$0x16950]  }
0x9c: {  	v2 =	vld [tilespmem:s28+$0x19150];
	_ =	sdelay $0x3  }
0x9d: {  	v1 =	vand.u32 $0x7FFFFFFF, v1  }
0x9e: {  	v0 =	vmul.f32 v1, v0;
	_ =	sdelay $0x1  }
0x9f: {  	v0 =	vadd.f32 v0, v2;
	_ =	sdelay $0x1  }
0xa0: {  	[tilespmem:s24+$0x10] =	vst v0;
	v0 =	vld [tilespmem:s24+$0x20]  }
0xa1: {  	v1 =	vld [tilespmem:s28+$0x16960]  }
0xa2: {  	v2 =	vld [tilespmem:s28+$0x19160];
	_ =	sdelay $0x3  }
0xa3: {  	v1 =	vand.u32 $0x7FFFFFFF, v1  }
0xa4: {  	v0 =	vmul.f32 v1, v0;
	_ =	sdelay $0x1  }
0xa5: {  	v0 =	vadd.f32 v0, v2;
	_ =	sdelay $0x1  }
0xa6: {  	[tilespmem:s24+$0x20] =	vst v0;
	v0 =	vld [tilespmem:s24+$0x30]  }
0xa7: {  	v1 =	vld [tilespmem:s28+$0x16970]  }
0xa8: {  	v2 =	vld [tilespmem:s28+$0x19170];
	_ =	sdelay $0x2  }
.Ltmp5:
0xa9: {  	(pc) =	sbr.rel @p2 .LBB2_4-.Ltmp5, $3  }
0xaa: {  	v1 =	vand.u32 $0x7FFFFFFF, v1  }
0xab: {  	v0 =	vmul.f32 v1, v0;
	_ =	sdelay $0x1  }
0xac: {  	s29 =	smov.u32 s26;
	v0 =	vadd.f32 v0, v2  }
0xad: {  	_ = 	snop  }
0xae: {  	s25 =	sshra.s32 s25, $0x2;
	[tilespmem:s24+$0x30] =	vst v0  }
0xaf: {  	s29 =	sadd.s32 $0x480, s24;
	v0 =	vld [tilespmem:s25+$0x16900]  }
0xb0: {  	v1 =	vld [tilespmem:s29+$0xFFFFFFC0];
	_ =	sdelay $0x1  }
0xb1: {  	v2 =	vld [tilespmem:s25+$0x19100];
	_ =	sdelay $0x1  }
0xb2: {  	v0 =	vand.u32 $0x7FFFFFFF, v0  }
0xb3: {  	v0 =	vmul.f32 v0, v1;
	_ =	sdelay $0x1  }
0xb4: {  	v0 =	vadd.f32 v0, v2;
	_ =	sdelay $0x1  }
0xb5: {  	[tilespmem:s29+$0xFFFFFFC0] =	vst v0  }
0xb6: {  	v0 =	vld [tilespmem:s25+$0x16910]  }
0xb7: {  	v50 =	vld [tilespmem:s29+$0xFFFFFFD0];
	_ =	sdelay $0x1  }
0xb8: {  	v51 =	vld [tilespmem:s25+$0x19110];
	_ =	sdelay $0x1  }
0xb9: {  	v0 =	vand.u32 $0x7FFFFFFF, v0  }
0xba: {  	v0 =	vmul.f32 v0, v50;
	_ =	sdelay $0x1  }
0xbb: {  	v0 =	vadd.f32 v0, v51;
	_ =	sdelay $0x1  }
0xbc: {  	[tilespmem:s29+$0xFFFFFFD0] =	vst v0  }
0xbd: {  	v0 =	vld [tilespmem:s25+$0x16920]  }
0xbe: {  	v52 =	vld [tilespmem:s29+$0xFFFFFFE0];
	_ =	sdelay $0x1  }
0xbf: {  	v53 =	vld [tilespmem:s25+$0x19120];
	_ =	sdelay $0x1  }
0xc0: {  	v0 =	vand.u32 $0x7FFFFFFF, v0  }
0xc1: {  	v0 =	vmul.f32 v0, v52;
	_ =	sdelay $0x1  }
0xc2: {  	v0 =	vadd.f32 v0, v53;
	_ =	sdelay $0x1  }
0xc3: {  	[tilespmem:s29+$0xFFFFFFE0] =	vst v0  }
0xc4: {  	v0 =	vld [tilespmem:s25+$0x16930]  }
0xc5: {  	v54 =	vld [tilespmem:s29+$0xFFFFFFF0];
	_ =	sdelay $0x1  }
0xc6: {  	v55 =	vld [tilespmem:s25+$0x19130];
	_ =	sdelay $0x1  }
0xc7: {  	v0 =	vand.u32 $0x7FFFFFFF, v0  }
0xc8: {  	v0 =	vmul.f32 v0, v54;
	_ =	sdelay $0x1  }
0xc9: {  	v0 =	vadd.f32 v0, v55;
	_ =	sdelay $0x1  }
0xca: {  	[tilespmem:s29+$0xFFFFFFF0] =	vst v0  }
0xcb: {  	v0 =	vld [tilespmem:s25+$0x16940]  }
0xcc: {  	v56 =	vld [tilespmem:s29+$0x0];
	_ =	sdelay $0x1  }
0xcd: {  	v57 =	vld [tilespmem:s25+$0x19140];
	_ =	sdelay $0x1  }
0xce: {  	v0 =	vand.u32 $0x7FFFFFFF, v0  }
0xcf: {  	v0 =	vmul.f32 v0, v56;
	_ =	sdelay $0x1  }
0xd0: {  	v0 =	vadd.f32 v0, v57;
	_ =	sdelay $0x1  }
0xd1: {  	[tilespmem:s29+$0x0] =	vst v0  }
0xd2: {  	v0 =	vld [tilespmem:s25+$0x16950]  }
0xd3: {  	v58 =	vld [tilespmem:s29+$0x10];
	_ =	sdelay $0x1  }
0xd4: {  	v59 =	vld [tilespmem:s25+$0x19150];
	_ =	sdelay $0x1  }
0xd5: {  	v0 =	vand.u32 $0x7FFFFFFF, v0  }
0xd6: {  	v0 =	vmul.f32 v0, v58;
	_ =	sdelay $0x1  }
0xd7: {  	v0 =	vadd.f32 v0, v59;
	_ =	sdelay $0x1  }
0xd8: {  	[tilespmem:s29+$0x10] =	vst v0  }
0xd9: {  	v0 =	vld [tilespmem:s25+$0x16960]  }
0xda: {  	v60 =	vld [tilespmem:s29+$0x20];
	_ =	sdelay $0x1  }
0xdb: {  	v61 =	vld [tilespmem:s25+$0x19160];
	_ =	sdelay $0x1  }
0xdc: {  	v0 =	vand.u32 $0x7FFFFFFF, v0  }
0xdd: {  	v0 =	vmul.f32 v0, v60;
	_ =	sdelay $0x1  }
0xde: {  	v0 =	vadd.f32 v0, v61;
	_ =	sdelay $0x1  }
0xdf: {  	[tilespmem:s29+$0x20] =	vst v0  }
0xe0: {  	v0 =	vld [tilespmem:s25+$0x16970]  }
0xe1: {  	v62 =	vld [tilespmem:s29+$0x30];
	_ =	sdelay $0x1  }
0xe2: {  	v63 =	vld [tilespmem:s25+$0x19170];
	_ =	sdelay $0x1  }
0xe3: {  	v0 =	vand.u32 $0x7FFFFFFF, v0  }
0xe4: {  	v0 =	vmul.f32 v0, v62;
	_ =	sdelay $0x1  }
0xe5: {  	s30 =	smul.u32 $0x1680, s23;
	v0 =	vadd.f32 v0, v63;
	_ =	sdelay $0x1  }
0xe6: {  	s24 =	simm.s32 @!p1 $0x4;
	s31 =	sadd.s32 s4, s30;
	[tilespmem:s29+$0x30] =	vst v0  }
0xe7: {  	[hbm4b:s31+s9] =	stream.linear.scatter [tilespmem:s9], [sflag:$0x7], $0xB400, $0x38;
	[tilespmem:$0x1BF40] =	vst v63  }
0xe8: {  	_ =	swait.ge @!p1 [sflag:s24], $0x28  }
0xe9: {  	s26 =	simm.s32 @!p1 $0x17D00;
	[sflag:s24] =	ssyncset.done @!p1 $0x0  }
0xea: {  	s25 =	simm.s32 @!p1 $0x16880;
	[sflag:s24] =	ssyncadd.s32 @!p1 $0xFFFFFFD8;
	s24 =	simm.s32 @!p1 $0x28  }
0xeb: {  	[tilespmem:s26], [sflag:$0x6] =	stream.indirect.gather @!p1 [spmem:s5], $0x80, s25, s24, $0xb8;
	[tilespmem:$0x1BF40] =	vst v63  }
0xec: {  	s26 =	simm.s32 @!p1 $0x1A500  }
0xed: {  	[tilespmem:s26], [sflag:$0x6] =	stream.indirect.gather @!p1 [spmem:s7], $0x80, s25, s24, $0xb8;
	[tilespmem:$0x1BF40] =	vst v63  }
0xee: {  	s24 =	simm.s32 @!p1 $0x2  }
0xef: {  	p2 =	sgt.u32 s22, $0x9A3;
	_ =	swait.ge @!p1 [sflag:s24], $0xB400  }
.Ltmp6:
0xf0: {  	[sflag:s24] =	ssyncset.done @!p1 $0x0;
	(pc) =	sbr.rel @p2 .LBB2_7-.Ltmp6, $4  }
0xf1: {  	[sflag:s24] =	ssyncadd.s32 @!p1 $0xFFFF4C00  }
0xf2: {  	_ =	swait.ge [sflag:s17], $0xB400  }
0xf3: {  	[sflag:s17] =	ssyncset.done $0x0  }
0xf4: {  	[sflag:s17] =	ssyncadd.s32 $0xFFFF4C00  }
0xf5: {  	s23 =	sadd.s32 $0x40, s23  }
0xf6: {  	s24 =	smul.u32 $0x1680, s23  }
.Ltmp7:
0xf7: {  	_ = 	snop;
	(pc) =	sbr.rel .LBB2_8-.Ltmp7, $4  }
0xf8: {  	s23 =	smul.u32 $0x5, s23;
	s24 =	sadd.s32 s0, s24  }
0xf9: {  	[tilespmem:s9], [sflag:$0x1] =	stream.linear.gather [hbm4b:s24+s9], $0xB400, $0x38;
	[tilespmem:$0x1BF40] =	vst v63  }
0xfa: {  	s23 =	sadd.s32 s1, s23  }
0xfb: {  	[tilespmem:s15], [sflag:$0x3] =	stream.linear.gather [hbm4b:s23+s9], $0x28, $0x38;
	[tilespmem:$0x1BF40] =	vst v63  }
.LBB2_7:
.Ltmp8:
0xfc: {  	(pc) =	sbr.rel @p1 .LBB2_11-.Ltmp8, $1  }
0xfd: {  	_ =	sdelay $0x3  }
.LBB2_8:
0xfe: {  	_ =	swait.ge [sflag:s18], $0x1400  }
0xff: {  	[sflag:s18] =	ssyncset.done $0x0  }
0x100: {  	[sflag:s18] =	ssyncadd.s32 $0xFFFFEC00  }
0x101: {  	_ =	swait.ge [sflag:s18], $0x1400  }
0x102: {  	[sflag:s18] =	ssyncset.done $0x0  }
0x103: {  	s23 =	simm.s32 $0x17D70;
	[sflag:s18] =	ssyncadd.s32 $0xFFFFEC00  }
0x104: {  	s24 =	simm.s32 $0x0;
	v0 =	vld [tilespmem:s23+$0xFFFFFF90]  }
0x105: {  	v1 =	vld [tilespmem:s24+$0xB400]  }
0x106: {  	s25 =	simm.s32 $0x1A570  }
0x107: {  	v2 =	vld [tilespmem:s25+$0xFFFFFF90];
	_ =	sdelay $0x1  }
0x108: {  	v0 =	vand.u32 $0x7FFFFFFF, v0  }
0x109: {  	v0 =	vmul.f32 v0, v1;
	_ =	sdelay $0x1  }
0x10a: {  	v0 =	vadd.f32 v0, v2;
	_ =	sdelay $0x1  }
0x10b: {  	[tilespmem:s24+$0xB400] =	vst v0  }
0x10c: {  	v0 =	vld [tilespmem:s23+$0xFFFFFFA0]  }
0x10d: {  	v1 =	vld [tilespmem:s24+$0xB410];
	_ =	sdelay $0x1  }
0x10e: {  	v2 =	vld [tilespmem:s25+$0xFFFFFFA0];
	_ =	sdelay $0x1  }
0x10f: {  	v0 =	vand.u32 $0x7FFFFFFF, v0  }
0x110: {  	v0 =	vmul.f32 v0, v1;
	_ =	sdelay $0x1  }
0x111: {  	v0 =	vadd.f32 v0, v2;
	_ =	sdelay $0x1  }
0x112: {  	[tilespmem:s24+$0xB410] =	vst v0  }
0x113: {  	v0 =	vld [tilespmem:s23+$0xFFFFFFB0]  }
0x114: {  	v1 =	vld [tilespmem:s24+$0xB420];
	_ =	sdelay $0x1  }
0x115: {  	v2 =	vld [tilespmem:s25+$0xFFFFFFB0];
	_ =	sdelay $0x1  }
0x116: {  	v0 =	vand.u32 $0x7FFFFFFF, v0  }
0x117: {  	v0 =	vmul.f32 v0, v1;
	_ =	sdelay $0x1  }
0x118: {  	v0 =	vadd.f32 v0, v2;
	_ =	sdelay $0x1  }
0x119: {  	[tilespmem:s24+$0xB420] =	vst v0  }
0x11a: {  	v0 =	vld [tilespmem:s23+$0xFFFFFFC0]  }
0x11b: {  	v1 =	vld [tilespmem:s24+$0xB430];
	_ =	sdelay $0x1  }
0x11c: {  	v2 =	vld [tilespmem:s25+$0xFFFFFFC0];
	_ =	sdelay $0x1  }
0x11d: {  	v0 =	vand.u32 $0x7FFFFFFF, v0  }
0x11e: {  	v0 =	vmul.f32 v0, v1;
	_ =	sdelay $0x1  }
0x11f: {  	v0 =	vadd.f32 v0, v2;
	_ =	sdelay $0x1  }
0x120: {  	[tilespmem:s24+$0xB430] =	vst v0  }
0x121: {  	v0 =	vld [tilespmem:s23+$0xFFFFFFD0]  }
0x122: {  	v1 =	vld [tilespmem:s24+$0xB440];
	_ =	sdelay $0x1  }
0x123: {  	v2 =	vld [tilespmem:s25+$0xFFFFFFD0];
	_ =	sdelay $0x1  }
0x124: {  	v0 =	vand.u32 $0x7FFFFFFF, v0  }
0x125: {  	v0 =	vmul.f32 v0, v1;
	_ =	sdelay $0x1  }
0x126: {  	v0 =	vadd.f32 v0, v2;
	_ =	sdelay $0x1  }
0x127: {  	[tilespmem:s24+$0xB440] =	vst v0  }
0x128: {  	v0 =	vld [tilespmem:s23+$0xFFFFFFE0]  }
0x129: {  	v1 =	vld [tilespmem:s24+$0xB450];
	_ =	sdelay $0x1  }
0x12a: {  	v2 =	vld [tilespmem:s25+$0xFFFFFFE0];
	_ =	sdelay $0x1  }
0x12b: {  	v0 =	vand.u32 $0x7FFFFFFF, v0  }
0x12c: {  	v0 =	vmul.f32 v0, v1;
	_ =	sdelay $0x1  }
0x12d: {  	v0 =	vadd.f32 v0, v2;
	_ =	sdelay $0x1  }
0x12e: {  	[tilespmem:s24+$0xB450] =	vst v0  }
0x12f: {  	v0 =	vld [tilespmem:s23+$0xFFFFFFF0]  }
0x130: {  	v1 =	vld [tilespmem:s24+$0xB460];
	_ =	sdelay $0x1  }
0x131: {  	v2 =	vld [tilespmem:s25+$0xFFFFFFF0];
	_ =	sdelay $0x1  }
0x132: {  	v0 =	vand.u32 $0x7FFFFFFF, v0  }
0x133: {  	v0 =	vmul.f32 v0, v1;
	_ =	sdelay $0x1  }
0x134: {  	v0 =	vadd.f32 v0, v2;
	_ =	sdelay $0x1  }
0x135: {  	[tilespmem:s24+$0xB460] =	vst v0  }
0x136: {  	v0 =	vld [tilespmem:s23+$0x0]  }
0x137: {  	v1 =	vld [tilespmem:s24+$0xB470];
	_ =	sdelay $0x1  }
0x138: {  	v2 =	vld [tilespmem:s25+$0x0];
	_ =	sdelay $0x1  }
0x139: {  	v0 =	vand.u32 $0x7FFFFFFF, v0  }
0x13a: {  	v0 =	vmul.f32 v0, v1;
	_ =	sdelay $0x1  }
0x13b: {  	s26 =	simm.s32 $0x1200;
	v0 =	vadd.f32 v0, v2  }
.LBB2_9:
0x13c: {  	_ = 	snop  }
0x13d: {  	p1 =	sne.s32 s26, $0x2BE00;
	s23 =	sadd.s32 $0x80, s23;
	s25 =	sadd.s32 $0x80, s25;
	[tilespmem:s24+$0xB470] =	vst v0  }
0x13e: {  	s24 =	sshra.s32 s26, $0x2;
	s26 =	sadd.s32 $0x1200, s26;
	v0 =	vld [tilespmem:s23+$0xFFFFFF90]  }
0x13f: {  	v1 =	vld [tilespmem:s24+$0xB400];
	_ =	sdelay $0x1  }
0x140: {  	v2 =	vld [tilespmem:s25+$0xFFFFFF90];
	_ =	sdelay $0x1  }
0x141: {  	v0 =	vand.u32 $0x7FFFFFFF, v0  }
0x142: {  	v0 =	vmul.f32 v0, v1;
	_ =	sdelay $0x1  }
0x143: {  	v0 =	vadd.f32 v0, v2;
	_ =	sdelay $0x1  }
0x144: {  	[tilespmem:s24+$0xB400] =	vst v0  }
0x145: {  	v0 =	vld [tilespmem:s23+$0xFFFFFFA0]  }
0x146: {  	v1 =	vld [tilespmem:s24+$0xB410];
	_ =	sdelay $0x1  }
0x147: {  	v2 =	vld [tilespmem:s25+$0xFFFFFFA0];
	_ =	sdelay $0x1  }
0x148: {  	v0 =	vand.u32 $0x7FFFFFFF, v0  }
0x149: {  	v0 =	vmul.f32 v0, v1;
	_ =	sdelay $0x1  }
0x14a: {  	v0 =	vadd.f32 v0, v2;
	_ =	sdelay $0x1  }
0x14b: {  	[tilespmem:s24+$0xB410] =	vst v0  }
0x14c: {  	v0 =	vld [tilespmem:s23+$0xFFFFFFB0]  }
0x14d: {  	v1 =	vld [tilespmem:s24+$0xB420];
	_ =	sdelay $0x1  }
0x14e: {  	v2 =	vld [tilespmem:s25+$0xFFFFFFB0];
	_ =	sdelay $0x1  }
0x14f: {  	v0 =	vand.u32 $0x7FFFFFFF, v0  }
0x150: {  	v0 =	vmul.f32 v0, v1;
	_ =	sdelay $0x1  }
0x151: {  	v0 =	vadd.f32 v0, v2;
	_ =	sdelay $0x1  }
0x152: {  	[tilespmem:s24+$0xB420] =	vst v0  }
0x153: {  	v0 =	vld [tilespmem:s23+$0xFFFFFFC0]  }
0x154: {  	v1 =	vld [tilespmem:s24+$0xB430];
	_ =	sdelay $0x1  }
0x155: {  	v2 =	vld [tilespmem:s25+$0xFFFFFFC0];
	_ =	sdelay $0x1  }
0x156: {  	v0 =	vand.u32 $0x7FFFFFFF, v0  }
0x157: {  	v0 =	vmul.f32 v0, v1;
	_ =	sdelay $0x1  }
0x158: {  	v0 =	vadd.f32 v0, v2;
	_ =	sdelay $0x1  }
0x159: {  	[tilespmem:s24+$0xB430] =	vst v0  }
0x15a: {  	v0 =	vld [tilespmem:s23+$0xFFFFFFD0]  }
0x15b: {  	v1 =	vld [tilespmem:s24+$0xB440];
	_ =	sdelay $0x1  }
0x15c: {  	v2 =	vld [tilespmem:s25+$0xFFFFFFD0];
	_ =	sdelay $0x1  }
0x15d: {  	v0 =	vand.u32 $0x7FFFFFFF, v0  }
0x15e: {  	v0 =	vmul.f32 v0, v1;
	_ =	sdelay $0x1  }
0x15f: {  	v0 =	vadd.f32 v0, v2;
	_ =	sdelay $0x1  }
0x160: {  	[tilespmem:s24+$0xB440] =	vst v0;
	v0 =	vld [tilespmem:s24+$0xB450]  }
0x161: {  	v1 =	vld [tilespmem:s23+$0xFFFFFFE0]  }
0x162: {  	v2 =	vld [tilespmem:s25+$0xFFFFFFE0];
	_ =	sdelay $0x3  }
0x163: {  	v1 =	vand.u32 $0x7FFFFFFF, v1  }
0x164: {  	v0 =	vmul.f32 v1, v0;
	_ =	sdelay $0x1  }
0x165: {  	v0 =	vadd.f32 v0, v2;
	_ =	sdelay $0x1  }
0x166: {  	[tilespmem:s24+$0xB450] =	vst v0;
	v0 =	vld [tilespmem:s24+$0xB460]  }
0x167: {  	v1 =	vld [tilespmem:s23+$0xFFFFFFF0]  }
0x168: {  	v2 =	vld [tilespmem:s25+$0xFFFFFFF0];
	_ =	sdelay $0x3  }
0x169: {  	v1 =	vand.u32 $0x7FFFFFFF, v1  }
0x16a: {  	v0 =	vmul.f32 v1, v0;
	_ =	sdelay $0x1  }
0x16b: {  	v0 =	vadd.f32 v0, v2;
	_ =	sdelay $0x1  }
0x16c: {  	[tilespmem:s24+$0xB460] =	vst v0;
	v0 =	vld [tilespmem:s24+$0xB470]  }
0x16d: {  	v1 =	vld [tilespmem:s23+$0x0]  }
0x16e: {  	v2 =	vld [tilespmem:s25+$0x0];
	_ =	sdelay $0x2  }
.Ltmp9:
0x16f: {  	(pc) =	sbr.rel @p1 .LBB2_9-.Ltmp9, $3  }
0x170: {  	v1 =	vand.u32 $0x7FFFFFFF, v1  }
0x171: {  	v0 =	vmul.f32 v1, v0;
	_ =	sdelay $0x1  }
0x172: {  	v0 =	vadd.f32 v0, v2  }
.Ltmp10:
0x173: {  	(pc) =	sbr.rel .LBB2_11-.Ltmp10, $3  }
0x174: {  	s22 =	smul.u32 $0x1680, s22;
	_ =	sdelay $0x1  }
0x175: {  	[tilespmem:s24+$0xB470] =	vst v0;
	s22 =	sadd.s32 s4, s22  }
0x176: {  	[hbm4b:s22+s9] =	stream.linear.scatter [tilespmem:s19], [sflag:$0x8], $0xB400, $0x38;
	[tilespmem:$0x1BF40] =	vst v63  }
.LBB2_13:
0x177: {  	_ =	sfence.sel $0x180000  }
0x178: {  	[bflag:$0x0] =	sbarrier.arrive $0xFFFF  }
0x179: {  	_ =	strace $0x90000047  }
0x17a: {  	s0 =	sadd.s32 @!p0 $0x100000, s6;
	[bflag:$0x2] =	sbarrier.arrive $0xFFFF  }
0x17b: {  	[sflag:s0] =	ssyncadd.tile.s32 @!p0 $0x1;
	_ =	shalt  }
.Lfunc_end2:
_tile_overlayer_lowered:
.L_overlay_start_2:
0x17c: {  	(tag) =	ssettag $0x2  }
0x17d: {  	s0 =	rddreg [dreg:$0x0];
	s2 =	stileid.u32  }
0x17e: {  	s1 =	rddreg [dreg:$0x1];
	p0 =	sne.s32 s2, $0x0  }
0x17f: {  	s3 =	rddreg [dreg:$0x2];
	[bflag:$0x3] =	sbarrier.arrive $0xFFFF;
	s2 =	simm.s32 @!p0 $0x1C09  }
0x180: {  	[timem:s3], [sflag:s2] =	dma.local @!p0 [hbm:s0], s1  }
0x181: {  	s0 =	simm.s32 @!p0 $0x9  }
0x182: {  	_ =	swait.ge @!p0 [sflag:s0], s1  }
0x183: {  	s1 =	ssub.s32 @!p0 $0x0, s1;
	[sflag:s0] =	ssyncset.done @!p0 $0x0  }
0x184: {  	[sflag:s0] =	ssyncadd.s32 @!p0 s1  }
0x185: {  	[bflag:$0x3] =	sbarrier.arrive $0xFFFF  }
0x186: {  	_ =	shalt  }

</sc_bundles>
